<compile_context>
chip_gen: v7x
topology: tpu7x:2x2x1
jax: 0.10.2.dev20260603
libtpu: 0.0.44.dev20260713+nightly
codegen_flags: <defaults>
</compile_context>

<pallas_src>
import functools

import jax
import jax.numpy as jnp
from jax import lax
from jax.experimental import pallas as pl
from jax.experimental.pallas import tpu as pltpu
from jax.experimental.pallas import tpu_sc as plsc

_B = 4
_T = 16
_FRAME = 224 * 224 * 3
_SEQ = _T * _FRAME
_CHUNK = 114688
_NCHUNK = _SEQ // _CHUNK
_VC = _FRAME // 4


def _masks_body(start_ref, end_ref, cm_ref, tm_ref):
    c = pl.program_id(0)
    idx = c * _CHUNK + lax.broadcasted_iota(jnp.int32, (_B, _CHUNK), 1)
    row = lax.broadcasted_iota(jnp.int32, (_B, _CHUNK), 0)

    def per_row(vals_ref):
        v0, v1, v2, v3 = vals_ref[0], vals_ref[1], vals_ref[2], vals_ref[3]
        return jnp.where(row == 0, v0,
               jnp.where(row == 1, v1,
               jnp.where(row == 2, v2, v3)))

    s = per_row(start_ref)
    e = per_row(end_ref)
    tm = (idx >= s) & (idx < e)
    tm_ref[...] = tm
    cm_ref[...] = ~tm


@functools.cache
def _make_tp_sc():
    mesh = plsc.VectorSubcoreMesh(core_axis_name="c", subcore_axis_name="s")
    return functools.partial(
        pl.kernel,
        mesh=mesh,
        out_type=jax.ShapeDtypeStruct((_B, _SEQ), jnp.int32),
        scratch_types=[
            pltpu.VMEM((16,), jnp.int32),
            pltpu.VMEM((_VC,), jnp.int32),
            pltpu.VMEM((_VC,), jnp.int32),
            pltpu.SemaphoreType.DMA,
            pltpu.SemaphoreType.DMA,
        ],
    )(_tp_sc_body)


def _tp_sc_body(se_hbm, tp_out, se_v, buf0, buf1, sem0, sem1):
    wid = lax.axis_index("s") * 2 + lax.axis_index("c")
    pltpu.sync_copy(se_hbm, se_v)
    sev = se_v[...]
    sps = [sev[b] for b in range(_B)]
    ls = [sev[_B + b] for b in range(_B)]

    def sel(vals, b):
        return jnp.where(b == 0, vals[0],
               jnp.where(b == 1, vals[1],
               jnp.where(b == 2, vals[2], vals[3])))

    b = wid // 8
    r8 = wid % 8
    sp = sel(sps, b)
    ln = sel(ls, b)
    lane16 = lax.iota(jnp.int32, 16)

    col0 = r8 * (2 * _FRAME)
    bufs = (buf0, buf1)
    sems = (sem0, sem1)
    copies = [None, None]
    for k in range(8):
        base = col0 + k * _VC
        buf = bufs[k % 2]
        if copies[k % 2] is not None:
            copies[k % 2].wait()

        @pl.when(base < ln)
        def _(base=base, buf=buf):
            def gen(i, v):
                for u in range(8):
                    buf[pl.ds(i * 128 + u * 16, 16)] = v + u * 16
                return v + 128
            lax.fori_loop(0, _VC // 128, gen, sp + base + lane16)

        @pl.when(base >= ln)
        def _(buf=buf):
            cv = jnp.full((16,), _SEQ, jnp.int32)

            def gen(i, v):
                for u in range(8):
                    buf[pl.ds(i * 128 + u * 16, 16)] = v
                return v
            lax.fori_loop(0, _VC // 128, gen, cv)

        copies[k % 2] = pltpu.async_copy(
            buf, tp_out.at[b, pl.ds(base, _VC)], sems[k % 2])
    copies[0].wait()
    copies[1].wait()


def kernel(batch_size, num_frames, frame_size, scales, rand_start):
    num_mask = jnp.clip((scales * _T).astype(jnp.int32), 1, _T - 2)
    max_start = jnp.clip(_T - num_mask - 1, 1, None)
    start_frames = (rand_start * max_start.astype(jnp.float32) + 1.0).astype(jnp.int32)
    start_pos = start_frames * _FRAME
    end_pos = jnp.minimum((start_frames + num_mask) * _FRAME, _SEQ)

    se = jnp.zeros((16,), jnp.int32)
    se = se.at[0:4].set(start_pos).at[4:8].set(end_pos - start_pos)
    tp = _make_tp_sc()(se)

    cm, tm = pl.pallas_call(
        _masks_body,
        grid=(_NCHUNK,),
        in_specs=[
            pl.BlockSpec(memory_space=pltpu.SMEM),
            pl.BlockSpec(memory_space=pltpu.SMEM),
        ],
        out_specs=[
            pl.BlockSpec((_B, _CHUNK), lambda c: (0, c)),
            pl.BlockSpec((_B, _CHUNK), lambda c: (0, c)),
        ],
        out_shape=[
            jax.ShapeDtypeStruct((_B, _SEQ), jnp.bool_),
            jax.ShapeDtypeStruct((_B, _SEQ), jnp.bool_),
        ],
    )(start_pos, end_pos)
    return (cm, tm, tp)

# --- scband reference (transcript-rebuilt; emitter-appended) ---
"""Pipeline reference for scband-temporal-mask-generator-13795434955370 (READ-ONLY COPY).

The authoritative reference and input builder live on the scoring server;
editing this copy changes nothing except your own understanding.
"""

import jax, jax.numpy as jnp
import numpy as np

B = 4
T = 16
FRAME = 224 * 224 * 3  # 150528
SCALE_MIN = 0.15
SCALE_MAX = 0.75


def setup_inputs(seed: int = 0) -> dict:
    key = jax.random.key(seed)
    k1, k2 = jax.random.split(key)
    # These replace torch's in-forward RNG calls (uniform_ for scales, rand for start)
    scales = jax.random.uniform(k1, (B,), minval=SCALE_MIN, maxval=SCALE_MAX, dtype=jnp.float32)
    rand_start = jax.random.uniform(k2, (B,), dtype=jnp.float32)
    return {
        "batch_size": B,
        "num_frames": T,
        "frame_size": FRAME,
        "scales": scales,
        "rand_start": rand_start,
    }


def reference(batch_size, num_frames, frame_size, scales, rand_start):
    seq_len = num_frames * frame_size
    # num_mask_frames = clamp((scales * num_frames).int(), 1, num_frames - 2)
    num_mask_frames = jnp.clip((scales * num_frames).astype(jnp.int32), 1, num_frames - 2)
    # max_start = clamp(num_frames - num_mask_frames - 1, min=1)
    max_start = jnp.clip(num_frames - num_mask_frames - 1, 1, None)
    # start_frames = (rand * max_start + 1).int()
    start_frames = (rand_start * max_start.astype(jnp.float32) + 1.0).astype(jnp.int32)

    positions = jnp.arange(T * FRAME, dtype=jnp.int32)
    start_pos = (start_frames * frame_size)[:, None]
    end_pos = jnp.minimum((start_frames + num_mask_frames) * frame_size, seq_len)[:, None]

    # target_mask[b, start_pos:end_pos] = True  (contiguous frame block)
    target_mask = (positions[None, :] >= start_pos) & (positions[None, :] < end_pos)
    context_mask = ~target_mask

    # target_positions: per-row nonzero indices. Ragged in torch; here returned
    # as a dense [B, seq_len] array with masked positions first (ascending) and
    # padding value seq_len for non-masked slots (jit-compatible nonzero).
    target_positions = jnp.sort(
        jnp.where(target_mask, positions[None, :], seq_len), axis=1
    )
    return (context_mask, target_mask, target_positions)

if __name__ == "__main__":
    import jax
    _d = setup_inputs()
    print(jax.jit(kernel)(*tuple(_d.values())))

</pallas_src>

<mosaic_0001>
#map = affine_map<(d0, d1) -> (0)>
#map1 = affine_map<(d0, d1) -> (0, 0)>
module attributes {stable_mosaic.version = 14 : i64} {
  func.func @_tp_sc_body(%arg0: i32, %arg1: i32, %arg2: memref<16xi32, #tpu.memory_space<hbm>>, %arg3: memref<4x2408448xi32, #tpu.memory_space<hbm>>, %arg4: memref<16xi32, #tpu.memory_space<vmem>>, %arg5: memref<37632xi32, #tpu.memory_space<vmem>>, %arg6: memref<37632xi32, #tpu.memory_space<vmem>>, %arg7: memref<!tpu.dma_semaphore, #tpu.memory_space<semaphore_mem>>, %arg8: memref<!tpu.dma_semaphore, #tpu.memory_space<semaphore_mem>>) attributes {dimension_semantics = [#tpu.dimension_semantics<core_parallel>, #tpu.dimension_semantics<subcore_parallel>], iteration_bounds = array<i64: 2, 16>, scalar_prefetch = 0 : i64, scratch_operands = 5 : i64, tpu.core_type = #tpu.core_type<sc_vector_subcore>, window_params = [{transform_indices = #map}, {transform_indices = #map1}]} {
    %mul3A = arith.constant 2 : i32
    %mul3A_0 = arith.muli %arg1, %mul3A : i32
    %add3A = arith.addi %mul3A_0, %arg0 : i32
    "tpu.region"() ({
      %run_scoped3A = tpu.sem_alloc : memref<!tpu.dma_semaphore, #tpu.memory_space<semaphore_mem>>
      tpu.enqueue_dma source(%arg2 : memref<16xi32, #tpu.memory_space<hbm>>) target(%arg4 : memref<16xi32, #tpu.memory_space<vmem>>) target_semaphore(%run_scoped3A : memref<!tpu.dma_semaphore, #tpu.memory_space<semaphore_mem>>)
      tpu.wait_dma2 semaphore(%run_scoped3A : memref<!tpu.dma_semaphore, #tpu.memory_space<semaphore_mem>>) src(%arg2 : memref<16xi32, #tpu.memory_space<hbm>>) dst(%arg4 : memref<16xi32, #tpu.memory_space<vmem>>)
      tpu.yield
    }) : () -> ()
    %get3A = arith.constant 0 : index
    %get3A_1 = tpu.vector_load %arg4[%get3A] {strides = array<i32>} : memref<16xi32, #tpu.memory_space<vmem>>, vector<16xi32>,
    %get3A_2 = vector.shape_cast %get3A_1 : vector<16xi32> to vector<16xi32>
    %slice3A = vector.extract_strided_slice %get3A_2 {offsets = [0], sizes = [1], strides = [1]} : vector<16xi32> to vector<1xi32>
    %squeeze3A = vector.extract %slice3A[0] : i32 from vector<1xi32>
    %slice3A_3 = vector.extract_strided_slice %get3A_2 {offsets = [1], sizes = [1], strides = [1]} : vector<16xi32> to vector<1xi32>
    %squeeze3A_4 = vector.extract %slice3A_3[0] : i32 from vector<1xi32>
    %slice3A_5 = vector.extract_strided_slice %get3A_2 {offsets = [2], sizes = [1], strides = [1]} : vector<16xi32> to vector<1xi32>
    %squeeze3A_6 = vector.extract %slice3A_5[0] : i32 from vector<1xi32>
    %slice3A_7 = vector.extract_strided_slice %get3A_2 {offsets = [3], sizes = [1], strides = [1]} : vector<16xi32> to vector<1xi32>
    %squeeze3A_8 = vector.extract %slice3A_7[0] : i32 from vector<1xi32>
    %slice3A_9 = vector.extract_strided_slice %get3A_2 {offsets = [4], sizes = [1], strides = [1]} : vector<16xi32> to vector<1xi32>
    %squeeze3A_10 = vector.extract %slice3A_9[0] : i32 from vector<1xi32>
    %slice3A_11 = vector.extract_strided_slice %get3A_2 {offsets = [5], sizes = [1], strides = [1]} : vector<16xi32> to vector<1xi32>
    %squeeze3A_12 = vector.extract %slice3A_11[0] : i32 from vector<1xi32>
    %slice3A_13 = vector.extract_strided_slice %get3A_2 {offsets = [6], sizes = [1], strides = [1]} : vector<16xi32> to vector<1xi32>
    %squeeze3A_14 = vector.extract %slice3A_13[0] : i32 from vector<1xi32>
    %slice3A_15 = vector.extract_strided_slice %get3A_2 {offsets = [7], sizes = [1], strides = [1]} : vector<16xi32> to vector<1xi32>
    %squeeze3A_16 = vector.extract %slice3A_15[0] : i32 from vector<1xi32>
    %jit3A = arith.constant 8 : i32
    %div3A = arith.divsi %add3A, %jit3A : i32
    %sign3A = arith.constant 0 : i32
    %sign3A_17 = arith.cmpi sgt, %add3A, %sign3A : i32
    %sign3A_18 = arith.extui %sign3A_17 : i1 to i32
    %sign3A_19 = arith.constant 0 : i32
    %sign3A_20 = arith.cmpi slt, %add3A, %sign3A_19 : i32
    %sign3A_21 = arith.extui %sign3A_20 : i1 to i32
    %sign3A_22 = arith.subi %sign3A_18, %sign3A_21 : i32
    %sign3A_23 = arith.constant 0 : i32
    %sign3A_24 = arith.cmpi sgt, %jit3A, %sign3A_23 : i32
    %sign3A_25 = arith.extui %sign3A_24 : i1 to i32
    %sign3A_26 = arith.constant 0 : i32
    %sign3A_27 = arith.cmpi slt, %jit3A, %sign3A_26 : i32
    %sign3A_28 = arith.extui %sign3A_27 : i1 to i32
    %sign3A_29 = arith.subi %sign3A_25, %sign3A_28 : i32
    %ne3A = arith.cmpi ne, %sign3A_22, %sign3A_29 : i32
    %rem3A = arith.remsi %add3A, %jit3A : i32
    %ne3A_30 = arith.constant 0 : i32
    %ne3A_31 = arith.cmpi ne, %rem3A, %ne3A_30 : i32
    %and3A = arith.andi %ne3A, %ne3A_31 : i1
    %sub3A = arith.constant 1 : i32
    %sub3A_32 = arith.subi %div3A, %sub3A : i32
    %select_n3A = arith.select %and3A, %sub3A_32, %div3A : i32
    %jit3A_33 = arith.constant 8 : i32
    %eq3A = arith.constant 0 : i32
    %eq3A_34 = arith.cmpi eq, %jit3A_33, %eq3A : i32
    %jit3A_35 = arith.constant 1 : i32
    %select_n3A_36 = arith.select %eq3A_34, %jit3A_35, %jit3A_33 : i32
    %rem3A_37 = arith.remsi %add3A, %select_n3A_36 : i32
    %ne3A_38 = arith.constant 0 : i32
    %ne3A_39 = arith.cmpi ne, %rem3A_37, %ne3A_38 : i32
    %lt3A = arith.constant 0 : i32
    %lt3A_40 = arith.cmpi slt, %rem3A_37, %lt3A : i32
    %lt3A_41 = arith.constant 0 : i32
    %lt3A_42 = arith.cmpi slt, %select_n3A_36, %lt3A_41 : i32
    %ne3A_43 = arith.xori %lt3A_40, %lt3A_42 : i1
    %and3A_44 = arith.andi %ne3A_43, %ne3A_39 : i1
    %add3A_45 = arith.addi %rem3A_37, %select_n3A_36 : i32
    %select_n3A_46 = arith.select %and3A_44, %add3A_45, %rem3A_37 : i32
    %eq3A_47 = arith.constant 0 : i32
    %eq3A_48 = arith.cmpi eq, %select_n3A, %eq3A_47 : i32
    %eq3A_49 = arith.constant 1 : i32
    %eq3A_50 = arith.cmpi eq, %select_n3A, %eq3A_49 : i32
    %eq3A_51 = arith.constant 2 : i32
    %eq3A_52 = arith.cmpi eq, %select_n3A, %eq3A_51 : i32
    %select_n3A_53 = arith.select %eq3A_52, %squeeze3A_6, %squeeze3A_8 : i32
    %select_n3A_54 = arith.select %eq3A_50, %squeeze3A_4, %select_n3A_53 : i32
    %select_n3A_55 = arith.select %eq3A_48, %squeeze3A, %select_n3A_54 : i32
    %eq3A_56 = arith.constant 0 : i32
    %eq3A_57 = arith.cmpi eq, %select_n3A, %eq3A_56 : i32
    %eq3A_58 = arith.constant 1 : i32
    %eq3A_59 = arith.cmpi eq, %select_n3A, %eq3A_58 : i32
    %eq3A_60 = arith.constant 2 : i32
    %eq3A_61 = arith.cmpi eq, %select_n3A, %eq3A_60 : i32
    %select_n3A_62 = arith.select %eq3A_61, %squeeze3A_14, %squeeze3A_16 : i32
    %select_n3A_63 = arith.select %eq3A_59, %squeeze3A_12, %select_n3A_62 : i32
    %select_n3A_64 = arith.select %eq3A_57, %squeeze3A_10, %select_n3A_63 : i32
    %iota3A = tpu.iota {dimensions = array<i32: 0>} : vector<16xi32>
    %mul3A_65 = arith.constant 301056 : i32
    %mul3A_66 = arith.muli %select_n3A_46, %mul3A_65 : i32
    %add3A_67 = arith.constant 0 : i32
    %add3A_68 = arith.addi %mul3A_66, %add3A_67 : i32
    %lt3A_69 = arith.cmpi slt, %add3A_68, %select_n3A_64 : i32
    %convert_element_type3A = arith.extui %lt3A_69 : i1 to i32
    %cond3A = arith.constant 0 : i32
    %cond3A_70 = arith.cmpi ne, %convert_element_type3A, %cond3A : i32
    scf.if %cond3A_70 {
      %add3A_206 = arith.addi %select_n3A_55, %add3A_68 : i32
      %add3A_207 = vector.broadcast %add3A_206 : i32 to vector<16xi32>
      %add3A_208 = arith.addi %add3A_207, %iota3A : vector<16xi32>
      %scan3A = arith.constant 0 : i32
      %scan3A_209 = arith.constant 294 : i32
      %scan3A_210 = arith.addi %scan3A, %scan3A_209 : i32
      %scan3A_211 = arith.constant 1 : i32
      %scan3A_212 = scf.for %scan3A_214 = %scan3A to %scan3A_210 step %scan3A_211 iter_args(%scan3A_215 = %add3A_208) -> (vector<16xi32>)  : i32 {
        %add3A_216 = arith.constant 0 : i32
        %add3A_217 = vector.broadcast %add3A_216 : i32 to vector<16xi32>
        %add3A_218 = arith.addi %scan3A_215, %add3A_217 : vector<16xi32>
        %mul3A_219 = arith.constant 128 : i32
        %mul3A_220 = arith.muli %scan3A_214, %mul3A_219 : i32
        %add3A_221 = arith.constant 0 : i32
        %add3A_222 = arith.addi %mul3A_220, %add3A_221 : i32
        %swap3A = arith.index_cast %add3A_222 : i32 to index
        %swap3A_223 = tpu.vector_load %arg5[%swap3A] {strides = array<i32>} : memref<37632xi32, #tpu.memory_space<vmem>>, vector<16xi32>,
        %swap3A_224 = vector.shape_cast %swap3A_223 : vector<16xi32> to vector<16xi32>
        %swap3A_225 = vector.shape_cast %add3A_218 : vector<16xi32> to vector<16xi32>
        tpu.vector_store %arg5[%swap3A], %swap3A_225 {strides = array<i32>} : memref<37632xi32, #tpu.memory_space<vmem>>, vector<16xi32>,
        %add3A_226 = arith.constant 16 : i32
        %add3A_227 = vector.broadcast %add3A_226 : i32 to vector<16xi32>
        %add3A_228 = arith.addi %scan3A_215, %add3A_227 : vector<16xi32>
        %mul3A_229 = arith.constant 128 : i32
        %mul3A_230 = arith.muli %scan3A_214, %mul3A_229 : i32
        %add3A_231 = arith.constant 16 : i32
        %add3A_232 = arith.addi %mul3A_230, %add3A_231 : i32
        %swap3A_233 = arith.index_cast %add3A_232 : i32 to index
        %swap3A_234 = tpu.vector_load %arg5[%swap3A_233] {strides = array<i32>} : memref<37632xi32, #tpu.memory_space<vmem>>, vector<16xi32>,
        %swap3A_235 = vector.shape_cast %swap3A_234 : vector<16xi32> to vector<16xi32>
        %swap3A_236 = vector.shape_cast %add3A_228 : vector<16xi32> to vector<16xi32>
        tpu.vector_store %arg5[%swap3A_233], %swap3A_236 {strides = array<i32>} : memref<37632xi32, #tpu.memory_space<vmem>>, vector<16xi32>,
        %add3A_237 = arith.constant 32 : i32
        %add3A_238 = vector.broadcast %add3A_237 : i32 to vector<16xi32>
        %add3A_239 = arith.addi %scan3A_215, %add3A_238 : vector<16xi32>
        %mul3A_240 = arith.constant 128 : i32
        %mul3A_241 = arith.muli %scan3A_214, %mul3A_240 : i32
        %add3A_242 = arith.constant 32 : i32
        %add3A_243 = arith.addi %mul3A_241, %add3A_242 : i32
        %swap3A_244 = arith.index_cast %add3A_243 : i32 to index
        %swap3A_245 = tpu.vector_load %arg5[%swap3A_244] {strides = array<i32>} : memref<37632xi32, #tpu.memory_space<vmem>>, vector<16xi32>,
        %swap3A_246 = vector.shape_cast %swap3A_245 : vector<16xi32> to vector<16xi32>
        %swap3A_247 = vector.shape_cast %add3A_239 : vector<16xi32> to vector<16xi32>
        tpu.vector_store %arg5[%swap3A_244], %swap3A_247 {strides = array<i32>} : memref<37632xi32, #tpu.memory_space<vmem>>, vector<16xi32>,
        %add3A_248 = arith.constant 48 : i32
        %add3A_249 = vector.broadcast %add3A_248 : i32 to vector<16xi32>
        %add3A_250 = arith.addi %scan3A_215, %add3A_249 : vector<16xi32>
        %mul3A_251 = arith.constant 128 : i32
        %mul3A_252 = arith.muli %scan3A_214, %mul3A_251 : i32
        %add3A_253 = arith.constant 48 : i32
        %add3A_254 = arith.addi %mul3A_252, %add3A_253 : i32
        %swap3A_255 = arith.index_cast %add3A_254 : i32 to index
        %swap3A_256 = tpu.vector_load %arg5[%swap3A_255] {strides = array<i32>} : memref<37632xi32, #tpu.memory_space<vmem>>, vector<16xi32>,
        %swap3A_257 = vector.shape_cast %swap3A_256 : vector<16xi32> to vector<16xi32>
        %swap3A_258 = vector.shape_cast %add3A_250 : vector<16xi32> to vector<16xi32>
        tpu.vector_store %arg5[%swap3A_255], %swap3A_258 {strides = array<i32>} : memref<37632xi32, #tpu.memory_space<vmem>>, vector<16xi32>,
        %add3A_259 = arith.constant 64 : i32
        %add3A_260 = vector.broadcast %add3A_259 : i32 to vector<16xi32>
        %add3A_261 = arith.addi %scan3A_215, %add3A_260 : vector<16xi32>
        %mul3A_262 = arith.constant 128 : i32
        %mul3A_263 = arith.muli %scan3A_214, %mul3A_262 : i32
        %add3A_264 = arith.constant 64 : i32
        %add3A_265 = arith.addi %mul3A_263, %add3A_264 : i32
        %swap3A_266 = arith.index_cast %add3A_265 : i32 to index
        %swap3A_267 = tpu.vector_load %arg5[%swap3A_266] {strides = array<i32>} : memref<37632xi32, #tpu.memory_space<vmem>>, vector<16xi32>,
        %swap3A_268 = vector.shape_cast %swap3A_267 : vector<16xi32> to vector<16xi32>
        %swap3A_269 = vector.shape_cast %add3A_261 : vector<16xi32> to vector<16xi32>
        tpu.vector_store %arg5[%swap3A_266], %swap3A_269 {strides = array<i32>} : memref<37632xi32, #tpu.memory_space<vmem>>, vector<16xi32>,
        %add3A_270 = arith.constant 80 : i32
        %add3A_271 = vector.broadcast %add3A_270 : i32 to vector<16xi32>
        %add3A_272 = arith.addi %scan3A_215, %add3A_271 : vector<16xi32>
        %mul3A_273 = arith.constant 128 : i32
        %mul3A_274 = arith.muli %scan3A_214, %mul3A_273 : i32
        %add3A_275 = arith.constant 80 : i32
        %add3A_276 = arith.addi %mul3A_274, %add3A_275 : i32
        %swap3A_277 = arith.index_cast %add3A_276 : i32 to index
        %swap3A_278 = tpu.vector_load %arg5[%swap3A_277] {strides = array<i32>} : memref<37632xi32, #tpu.memory_space<vmem>>, vector<16xi32>,
        %swap3A_279 = vector.shape_cast %swap3A_278 : vector<16xi32> to vector<16xi32>
        %swap3A_280 = vector.shape_cast %add3A_272 : vector<16xi32> to vector<16xi32>
        tpu.vector_store %arg5[%swap3A_277], %swap3A_280 {strides = array<i32>} : memref<37632xi32, #tpu.memory_space<vmem>>, vector<16xi32>,
        %add3A_281 = arith.constant 96 : i32
        %add3A_282 = vector.broadcast %add3A_281 : i32 to vector<16xi32>
        %add3A_283 = arith.addi %scan3A_215, %add3A_282 : vector<16xi32>
        %mul3A_284 = arith.constant 128 : i32
        %mul3A_285 = arith.muli %scan3A_214, %mul3A_284 : i32
        %add3A_286 = arith.constant 96 : i32
        %add3A_287 = arith.addi %mul3A_285, %add3A_286 : i32
        %swap3A_288 = arith.index_cast %add3A_287 : i32 to index
        %swap3A_289 = tpu.vector_load %arg5[%swap3A_288] {strides = array<i32>} : memref<37632xi32, #tpu.memory_space<vmem>>, vector<16xi32>,
        %swap3A_290 = vector.shape_cast %swap3A_289 : vector<16xi32> to vector<16xi32>
        %swap3A_291 = vector.shape_cast %add3A_283 : vector<16xi32> to vector<16xi32>
        tpu.vector_store %arg5[%swap3A_288], %swap3A_291 {strides = array<i32>} : memref<37632xi32, #tpu.memory_space<vmem>>, vector<16xi32>,
        %add3A_292 = arith.constant 112 : i32
        %add3A_293 = vector.broadcast %add3A_292 : i32 to vector<16xi32>
        %add3A_294 = arith.addi %scan3A_215, %add3A_293 : vector<16xi32>
        %mul3A_295 = arith.constant 128 : i32
        %mul3A_296 = arith.muli %scan3A_214, %mul3A_295 : i32
        %add3A_297 = arith.constant 112 : i32
        %add3A_298 = arith.addi %mul3A_296, %add3A_297 : i32
        %swap3A_299 = arith.index_cast %add3A_298 : i32 to index
        %swap3A_300 = tpu.vector_load %arg5[%swap3A_299] {strides = array<i32>} : memref<37632xi32, #tpu.memory_space<vmem>>, vector<16xi32>,
        %swap3A_301 = vector.shape_cast %swap3A_300 : vector<16xi32> to vector<16xi32>
        %swap3A_302 = vector.shape_cast %add3A_294 : vector<16xi32> to vector<16xi32>
        tpu.vector_store %arg5[%swap3A_299], %swap3A_302 {strides = array<i32>} : memref<37632xi32, #tpu.memory_space<vmem>>, vector<16xi32>,
        %add3A_303 = arith.constant 128 : i32
        %add3A_304 = vector.broadcast %add3A_303 : i32 to vector<16xi32>
        %add3A_305 = arith.addi %scan3A_215, %add3A_304 : vector<16xi32>
        scf.yield %add3A_305 : vector<16xi32>
      }
      %scan3A_213 = arith.constant 294 : i32
    } else {
    }
    %ge3A = arith.cmpi sge, %add3A_68, %select_n3A_64 : i32
    %convert_element_type3A_71 = arith.extui %ge3A : i1 to i32
    %cond3A_72 = arith.constant 0 : i32
    %cond3A_73 = arith.cmpi ne, %convert_element_type3A_71, %cond3A_72 : i32
    scf.if %cond3A_73 {
      %broadcast_in_dim3A = arith.constant 2408448 : i32
      %broadcast_in_dim3A_206 = vector.broadcast %broadcast_in_dim3A : i32 to vector<16xi32>
      %scan3A = arith.constant 0 : i32
      %scan3A_207 = arith.constant 294 : i32
      %scan3A_208 = arith.addi %scan3A, %scan3A_207 : i32
      %scan3A_209 = arith.constant 1 : i32
      scf.for %scan3A_211 = %scan3A to %scan3A_208 step %scan3A_209  : i32 {
        %mul3A_212 = arith.constant 128 : i32
        %mul3A_213 = arith.muli %scan3A_211, %mul3A_212 : i32
        %add3A_214 = arith.constant 0 : i32
        %add3A_215 = arith.addi %mul3A_213, %add3A_214 : i32
        %swap3A = arith.index_cast %add3A_215 : i32 to index
        %swap3A_216 = tpu.vector_load %arg5[%swap3A] {strides = array<i32>} : memref<37632xi32, #tpu.memory_space<vmem>>, vector<16xi32>,
        %swap3A_217 = vector.shape_cast %swap3A_216 : vector<16xi32> to vector<16xi32>
        %swap3A_218 = vector.shape_cast %broadcast_in_dim3A_206 : vector<16xi32> to vector<16xi32>
        tpu.vector_store %arg5[%swap3A], %swap3A_218 {strides = array<i32>} : memref<37632xi32, #tpu.memory_space<vmem>>, vector<16xi32>,
        %mul3A_219 = arith.constant 128 : i32
        %mul3A_220 = arith.muli %scan3A_211, %mul3A_219 : i32
        %add3A_221 = arith.constant 16 : i32
        %add3A_222 = arith.addi %mul3A_220, %add3A_221 : i32
        %swap3A_223 = arith.index_cast %add3A_222 : i32 to index
        %swap3A_224 = tpu.vector_load %arg5[%swap3A_223] {strides = array<i32>} : memref<37632xi32, #tpu.memory_space<vmem>>, vector<16xi32>,
        %swap3A_225 = vector.shape_cast %swap3A_224 : vector<16xi32> to vector<16xi32>
        %swap3A_226 = vector.shape_cast %broadcast_in_dim3A_206 : vector<16xi32> to vector<16xi32>
        tpu.vector_store %arg5[%swap3A_223], %swap3A_226 {strides = array<i32>} : memref<37632xi32, #tpu.memory_space<vmem>>, vector<16xi32>,
        %mul3A_227 = arith.constant 128 : i32
        %mul3A_228 = arith.muli %scan3A_211, %mul3A_227 : i32
        %add3A_229 = arith.constant 32 : i32
        %add3A_230 = arith.addi %mul3A_228, %add3A_229 : i32
        %swap3A_231 = arith.index_cast %add3A_230 : i32 to index
        %swap3A_232 = tpu.vector_load %arg5[%swap3A_231] {strides = array<i32>} : memref<37632xi32, #tpu.memory_space<vmem>>, vector<16xi32>,
        %swap3A_233 = vector.shape_cast %swap3A_232 : vector<16xi32> to vector<16xi32>
        %swap3A_234 = vector.shape_cast %broadcast_in_dim3A_206 : vector<16xi32> to vector<16xi32>
        tpu.vector_store %arg5[%swap3A_231], %swap3A_234 {strides = array<i32>} : memref<37632xi32, #tpu.memory_space<vmem>>, vector<16xi32>,
        %mul3A_235 = arith.constant 128 : i32
        %mul3A_236 = arith.muli %scan3A_211, %mul3A_235 : i32
        %add3A_237 = arith.constant 48 : i32
        %add3A_238 = arith.addi %mul3A_236, %add3A_237 : i32
        %swap3A_239 = arith.index_cast %add3A_238 : i32 to index
        %swap3A_240 = tpu.vector_load %arg5[%swap3A_239] {strides = array<i32>} : memref<37632xi32, #tpu.memory_space<vmem>>, vector<16xi32>,
        %swap3A_241 = vector.shape_cast %swap3A_240 : vector<16xi32> to vector<16xi32>
        %swap3A_242 = vector.shape_cast %broadcast_in_dim3A_206 : vector<16xi32> to vector<16xi32>
        tpu.vector_store %arg5[%swap3A_239], %swap3A_242 {strides = array<i32>} : memref<37632xi32, #tpu.memory_space<vmem>>, vector<16xi32>,
        %mul3A_243 = arith.constant 128 : i32
        %mul3A_244 = arith.muli %scan3A_211, %mul3A_243 : i32
        %add3A_245 = arith.constant 64 : i32
        %add3A_246 = arith.addi %mul3A_244, %add3A_245 : i32
        %swap3A_247 = arith.index_cast %add3A_246 : i32 to index
        %swap3A_248 = tpu.vector_load %arg5[%swap3A_247] {strides = array<i32>} : memref<37632xi32, #tpu.memory_space<vmem>>, vector<16xi32>,
        %swap3A_249 = vector.shape_cast %swap3A_248 : vector<16xi32> to vector<16xi32>
        %swap3A_250 = vector.shape_cast %broadcast_in_dim3A_206 : vector<16xi32> to vector<16xi32>
        tpu.vector_store %arg5[%swap3A_247], %swap3A_250 {strides = array<i32>} : memref<37632xi32, #tpu.memory_space<vmem>>, vector<16xi32>,
        %mul3A_251 = arith.constant 128 : i32
        %mul3A_252 = arith.muli %scan3A_211, %mul3A_251 : i32
        %add3A_253 = arith.constant 80 : i32
        %add3A_254 = arith.addi %mul3A_252, %add3A_253 : i32
        %swap3A_255 = arith.index_cast %add3A_254 : i32 to index
        %swap3A_256 = tpu.vector_load %arg5[%swap3A_255] {strides = array<i32>} : memref<37632xi32, #tpu.memory_space<vmem>>, vector<16xi32>,
        %swap3A_257 = vector.shape_cast %swap3A_256 : vector<16xi32> to vector<16xi32>
        %swap3A_258 = vector.shape_cast %broadcast_in_dim3A_206 : vector<16xi32> to vector<16xi32>
        tpu.vector_store %arg5[%swap3A_255], %swap3A_258 {strides = array<i32>} : memref<37632xi32, #tpu.memory_space<vmem>>, vector<16xi32>,
        %mul3A_259 = arith.constant 128 : i32
        %mul3A_260 = arith.muli %scan3A_211, %mul3A_259 : i32
        %add3A_261 = arith.constant 96 : i32
        %add3A_262 = arith.addi %mul3A_260, %add3A_261 : i32
        %swap3A_263 = arith.index_cast %add3A_262 : i32 to index
        %swap3A_264 = tpu.vector_load %arg5[%swap3A_263] {strides = array<i32>} : memref<37632xi32, #tpu.memory_space<vmem>>, vector<16xi32>,
        %swap3A_265 = vector.shape_cast %swap3A_264 : vector<16xi32> to vector<16xi32>
        %swap3A_266 = vector.shape_cast %broadcast_in_dim3A_206 : vector<16xi32> to vector<16xi32>
        tpu.vector_store %arg5[%swap3A_263], %swap3A_266 {strides = array<i32>} : memref<37632xi32, #tpu.memory_space<vmem>>, vector<16xi32>,
        %mul3A_267 = arith.constant 128 : i32
        %mul3A_268 = arith.muli %scan3A_211, %mul3A_267 : i32
        %add3A_269 = arith.constant 112 : i32
        %add3A_270 = arith.addi %mul3A_268, %add3A_269 : i32
        %swap3A_271 = arith.index_cast %add3A_270 : i32 to index
        %swap3A_272 = tpu.vector_load %arg5[%swap3A_271] {strides = array<i32>} : memref<37632xi32, #tpu.memory_space<vmem>>, vector<16xi32>,
        %swap3A_273 = vector.shape_cast %swap3A_272 : vector<16xi32> to vector<16xi32>
        %swap3A_274 = vector.shape_cast %broadcast_in_dim3A_206 : vector<16xi32> to vector<16xi32>
        tpu.vector_store %arg5[%swap3A_271], %swap3A_274 {strides = array<i32>} : memref<37632xi32, #tpu.memory_space<vmem>>, vector<16xi32>,
      }
      %scan3A_210 = arith.constant 294 : i32
    } else {
    }
    %dma_start3A = tpu.memref_slice %arg3[%select_n3A, %add3A_68] : memref<4x2408448xi32, #tpu.memory_space<hbm>> -> memref<1x37632xi32, #tpu.memory_space<hbm>>
    %dma_start3A_74 = tpu.memref_squeeze %dma_start3A : memref<1x37632xi32, #tpu.memory_space<hbm>> -> memref<37632xi32, #tpu.memory_space<hbm>>
    %dma_start3A_75 = tpu.memref_slice %arg3[%select_n3A, %add3A_68] : memref<4x2408448xi32, #tpu.memory_space<hbm>> -> memref<1x37632xi32, #tpu.memory_space<hbm>>
    %dma_start3A_76 = tpu.memref_squeeze %dma_start3A_75 : memref<1x37632xi32, #tpu.memory_space<hbm>> -> memref<37632xi32, #tpu.memory_space<hbm>>
    tpu.enqueue_dma source(%arg5 : memref<37632xi32, #tpu.memory_space<vmem>>) target(%dma_start3A_76 : memref<37632xi32, #tpu.memory_space<hbm>>) target_semaphore(%arg7 : memref<!tpu.dma_semaphore, #tpu.memory_space<semaphore_mem>>)
    %add3A_77 = arith.constant 37632 : i32
    %add3A_78 = arith.addi %mul3A_66, %add3A_77 : i32
    %lt3A_79 = arith.cmpi slt, %add3A_78, %select_n3A_64 : i32
    %convert_element_type3A_80 = arith.extui %lt3A_79 : i1 to i32
    %cond3A_81 = arith.constant 0 : i32
    %cond3A_82 = arith.cmpi ne, %convert_element_type3A_80, %cond3A_81 : i32
    scf.if %cond3A_82 {
      %add3A_206 = arith.addi %select_n3A_55, %add3A_78 : i32
      %add3A_207 = vector.broadcast %add3A_206 : i32 to vector<16xi32>
      %add3A_208 = arith.addi %add3A_207, %iota3A : vector<16xi32>
      %scan3A = arith.constant 0 : i32
      %scan3A_209 = arith.constant 294 : i32
      %scan3A_210 = arith.addi %scan3A, %scan3A_209 : i32
      %scan3A_211 = arith.constant 1 : i32
      %scan3A_212 = scf.for %scan3A_214 = %scan3A to %scan3A_210 step %scan3A_211 iter_args(%scan3A_215 = %add3A_208) -> (vector<16xi32>)  : i32 {
        %add3A_216 = arith.constant 0 : i32
        %add3A_217 = vector.broadcast %add3A_216 : i32 to vector<16xi32>
        %add3A_218 = arith.addi %scan3A_215, %add3A_217 : vector<16xi32>
        %mul3A_219 = arith.constant 128 : i32
        %mul3A_220 = arith.muli %scan3A_214, %mul3A_219 : i32
        %add3A_221 = arith.constant 0 : i32
        %add3A_222 = arith.addi %mul3A_220, %add3A_221 : i32
        %swap3A = arith.index_cast %add3A_222 : i32 to index
        %swap3A_223 = tpu.vector_load %arg6[%swap3A] {strides = array<i32>} : memref<37632xi32, #tpu.memory_space<vmem>>, vector<16xi32>,
        %swap3A_224 = vector.shape_cast %swap3A_223 : vector<16xi32> to vector<16xi32>
        %swap3A_225 = vector.shape_cast %add3A_218 : vector<16xi32> to vector<16xi32>
        tpu.vector_store %arg6[%swap3A], %swap3A_225 {strides = array<i32>} : memref<37632xi32, #tpu.memory_space<vmem>>, vector<16xi32>,
        %add3A_226 = arith.constant 16 : i32
        %add3A_227 = vector.broadcast %add3A_226 : i32 to vector<16xi32>
        %add3A_228 = arith.addi %scan3A_215, %add3A_227 : vector<16xi32>
        %mul3A_229 = arith.constant 128 : i32
        %mul3A_230 = arith.muli %scan3A_214, %mul3A_229 : i32
        %add3A_231 = arith.constant 16 : i32
        %add3A_232 = arith.addi %mul3A_230, %add3A_231 : i32
        %swap3A_233 = arith.index_cast %add3A_232 : i32 to index
        %swap3A_234 = tpu.vector_load %arg6[%swap3A_233] {strides = array<i32>} : memref<37632xi32, #tpu.memory_space<vmem>>, vector<16xi32>,
        %swap3A_235 = vector.shape_cast %swap3A_234 : vector<16xi32> to vector<16xi32>
        %swap3A_236 = vector.shape_cast %add3A_228 : vector<16xi32> to vector<16xi32>
        tpu.vector_store %arg6[%swap3A_233], %swap3A_236 {strides = array<i32>} : memref<37632xi32, #tpu.memory_space<vmem>>, vector<16xi32>,
        %add3A_237 = arith.constant 32 : i32
        %add3A_238 = vector.broadcast %add3A_237 : i32 to vector<16xi32>
        %add3A_239 = arith.addi %scan3A_215, %add3A_238 : vector<16xi32>
        %mul3A_240 = arith.constant 128 : i32
        %mul3A_241 = arith.muli %scan3A_214, %mul3A_240 : i32
        %add3A_242 = arith.constant 32 : i32
        %add3A_243 = arith.addi %mul3A_241, %add3A_242 : i32
        %swap3A_244 = arith.index_cast %add3A_243 : i32 to index
        %swap3A_245 = tpu.vector_load %arg6[%swap3A_244] {strides = array<i32>} : memref<37632xi32, #tpu.memory_space<vmem>>, vector<16xi32>,
        %swap3A_246 = vector.shape_cast %swap3A_245 : vector<16xi32> to vector<16xi32>
        %swap3A_247 = vector.shape_cast %add3A_239 : vector<16xi32> to vector<16xi32>
        tpu.vector_store %arg6[%swap3A_244], %swap3A_247 {strides = array<i32>} : memref<37632xi32, #tpu.memory_space<vmem>>, vector<16xi32>,
        %add3A_248 = arith.constant 48 : i32
        %add3A_249 = vector.broadcast %add3A_248 : i32 to vector<16xi32>
        %add3A_250 = arith.addi %scan3A_215, %add3A_249 : vector<16xi32>
        %mul3A_251 = arith.constant 128 : i32
        %mul3A_252 = arith.muli %scan3A_214, %mul3A_251 : i32
        %add3A_253 = arith.constant 48 : i32
        %add3A_254 = arith.addi %mul3A_252, %add3A_253 : i32
        %swap3A_255 = arith.index_cast %add3A_254 : i32 to index
        %swap3A_256 = tpu.vector_load %arg6[%swap3A_255] {strides = array<i32>} : memref<37632xi32, #tpu.memory_space<vmem>>, vector<16xi32>,
        %swap3A_257 = vector.shape_cast %swap3A_256 : vector<16xi32> to vector<16xi32>
        %swap3A_258 = vector.shape_cast %add3A_250 : vector<16xi32> to vector<16xi32>
        tpu.vector_store %arg6[%swap3A_255], %swap3A_258 {strides = array<i32>} : memref<37632xi32, #tpu.memory_space<vmem>>, vector<16xi32>,
        %add3A_259 = arith.constant 64 : i32
        %add3A_260 = vector.broadcast %add3A_259 : i32 to vector<16xi32>
        %add3A_261 = arith.addi %scan3A_215, %add3A_260 : vector<16xi32>
        %mul3A_262 = arith.constant 128 : i32
        %mul3A_263 = arith.muli %scan3A_214, %mul3A_262 : i32
        %add3A_264 = arith.constant 64 : i32
        %add3A_265 = arith.addi %mul3A_263, %add3A_264 : i32
        %swap3A_266 = arith.index_cast %add3A_265 : i32 to index
        %swap3A_267 = tpu.vector_load %arg6[%swap3A_266] {strides = array<i32>} : memref<37632xi32, #tpu.memory_space<vmem>>, vector<16xi32>,
        %swap3A_268 = vector.shape_cast %swap3A_267 : vector<16xi32> to vector<16xi32>
        %swap3A_269 = vector.shape_cast %add3A_261 : vector<16xi32> to vector<16xi32>
        tpu.vector_store %arg6[%swap3A_266], %swap3A_269 {strides = array<i32>} : memref<37632xi32, #tpu.memory_space<vmem>>, vector<16xi32>,
        %add3A_270 = arith.constant 80 : i32
        %add3A_271 = vector.broadcast %add3A_270 : i32 to vector<16xi32>
        %add3A_272 = arith.addi %scan3A_215, %add3A_271 : vector<16xi32>
        %mul3A_273 = arith.constant 128 : i32
        %mul3A_274 = arith.muli %scan3A_214, %mul3A_273 : i32
        %add3A_275 = arith.constant 80 : i32
        %add3A_276 = arith.addi %mul3A_274, %add3A_275 : i32
        %swap3A_277 = arith.index_cast %add3A_276 : i32 to index
        %swap3A_278 = tpu.vector_load %arg6[%swap3A_277] {strides = array<i32>} : memref<37632xi32, #tpu.memory_space<vmem>>, vector<16xi32>,
        %swap3A_279 = vector.shape_cast %swap3A_278 : vector<16xi32> to vector<16xi32>
        %swap3A_280 = vector.shape_cast %add3A_272 : vector<16xi32> to vector<16xi32>
        tpu.vector_store %arg6[%swap3A_277], %swap3A_280 {strides = array<i32>} : memref<37632xi32, #tpu.memory_space<vmem>>, vector<16xi32>,
        %add3A_281 = arith.constant 96 : i32
        %add3A_282 = vector.broadcast %add3A_281 : i32 to vector<16xi32>
        %add3A_283 = arith.addi %scan3A_215, %add3A_282 : vector<16xi32>
        %mul3A_284 = arith.constant 128 : i32
        %mul3A_285 = arith.muli %scan3A_214, %mul3A_284 : i32
        %add3A_286 = arith.constant 96 : i32
        %add3A_287 = arith.addi %mul3A_285, %add3A_286 : i32
        %swap3A_288 = arith.index_cast %add3A_287 : i32 to index
        %swap3A_289 = tpu.vector_load %arg6[%swap3A_288] {strides = array<i32>} : memref<37632xi32, #tpu.memory_space<vmem>>, vector<16xi32>,
        %swap3A_290 = vector.shape_cast %swap3A_289 : vector<16xi32> to vector<16xi32>
        %swap3A_291 = vector.shape_cast %add3A_283 : vector<16xi32> to vector<16xi32>
        tpu.vector_store %arg6[%swap3A_288], %swap3A_291 {strides = array<i32>} : memref<37632xi32, #tpu.memory_space<vmem>>, vector<16xi32>,
        %add3A_292 = arith.constant 112 : i32
        %add3A_293 = vector.broadcast %add3A_292 : i32 to vector<16xi32>
        %add3A_294 = arith.addi %scan3A_215, %add3A_293 : vector<16xi32>
        %mul3A_295 = arith.constant 128 : i32
        %mul3A_296 = arith.muli %scan3A_214, %mul3A_295 : i32
        %add3A_297 = arith.constant 112 : i32
        %add3A_298 = arith.addi %mul3A_296, %add3A_297 : i32
        %swap3A_299 = arith.index_cast %add3A_298 : i32 to index
        %swap3A_300 = tpu.vector_load %arg6[%swap3A_299] {strides = array<i32>} : memref<37632xi32, #tpu.memory_space<vmem>>, vector<16xi32>,
        %swap3A_301 = vector.shape_cast %swap3A_300 : vector<16xi32> to vector<16xi32>
        %swap3A_302 = vector.shape_cast %add3A_294 : vector<16xi32> to vector<16xi32>
        tpu.vector_store %arg6[%swap3A_299], %swap3A_302 {strides = array<i32>} : memref<37632xi32, #tpu.memory_space<vmem>>, vector<16xi32>,
        %add3A_303 = arith.constant 128 : i32
        %add3A_304 = vector.broadcast %add3A_303 : i32 to vector<16xi32>
        %add3A_305 = arith.addi %scan3A_215, %add3A_304 : vector<16xi32>
        scf.yield %add3A_305 : vector<16xi32>
      }
      %scan3A_213 = arith.constant 294 : i32
    } else {
    }
    %ge3A_83 = arith.cmpi sge, %add3A_78, %select_n3A_64 : i32
    %convert_element_type3A_84 = arith.extui %ge3A_83 : i1 to i32
    %cond3A_85 = arith.constant 0 : i32
    %cond3A_86 = arith.cmpi ne, %convert_element_type3A_84, %cond3A_85 : i32
    scf.if %cond3A_86 {
      %broadcast_in_dim3A = arith.constant 2408448 : i32
      %broadcast_in_dim3A_206 = vector.broadcast %broadcast_in_dim3A : i32 to vector<16xi32>
      %scan3A = arith.constant 0 : i32
      %scan3A_207 = arith.constant 294 : i32
      %scan3A_208 = arith.addi %scan3A, %scan3A_207 : i32
      %scan3A_209 = arith.constant 1 : i32
      scf.for %scan3A_211 = %scan3A to %scan3A_208 step %scan3A_209  : i32 {
        %mul3A_212 = arith.constant 128 : i32
        %mul3A_213 = arith.muli %scan3A_211, %mul3A_212 : i32
        %add3A_214 = arith.constant 0 : i32
        %add3A_215 = arith.addi %mul3A_213, %add3A_214 : i32
        %swap3A = arith.index_cast %add3A_215 : i32 to index
        %swap3A_216 = tpu.vector_load %arg6[%swap3A] {strides = array<i32>} : memref<37632xi32, #tpu.memory_space<vmem>>, vector<16xi32>,
        %swap3A_217 = vector.shape_cast %swap3A_216 : vector<16xi32> to vector<16xi32>
        %swap3A_218 = vector.shape_cast %broadcast_in_dim3A_206 : vector<16xi32> to vector<16xi32>
        tpu.vector_store %arg6[%swap3A], %swap3A_218 {strides = array<i32>} : memref<37632xi32, #tpu.memory_space<vmem>>, vector<16xi32>,
        %mul3A_219 = arith.constant 128 : i32
        %mul3A_220 = arith.muli %scan3A_211, %mul3A_219 : i32
        %add3A_221 = arith.constant 16 : i32
        %add3A_222 = arith.addi %mul3A_220, %add3A_221 : i32
        %swap3A_223 = arith.index_cast %add3A_222 : i32 to index
        %swap3A_224 = tpu.vector_load %arg6[%swap3A_223] {strides = array<i32>} : memref<37632xi32, #tpu.memory_space<vmem>>, vector<16xi32>,
        %swap3A_225 = vector.shape_cast %swap3A_224 : vector<16xi32> to vector<16xi32>
        %swap3A_226 = vector.shape_cast %broadcast_in_dim3A_206 : vector<16xi32> to vector<16xi32>
        tpu.vector_store %arg6[%swap3A_223], %swap3A_226 {strides = array<i32>} : memref<37632xi32, #tpu.memory_space<vmem>>, vector<16xi32>,
        %mul3A_227 = arith.constant 128 : i32
        %mul3A_228 = arith.muli %scan3A_211, %mul3A_227 : i32
        %add3A_229 = arith.constant 32 : i32
        %add3A_230 = arith.addi %mul3A_228, %add3A_229 : i32
        %swap3A_231 = arith.index_cast %add3A_230 : i32 to index
        %swap3A_232 = tpu.vector_load %arg6[%swap3A_231] {strides = array<i32>} : memref<37632xi32, #tpu.memory_space<vmem>>, vector<16xi32>,
        %swap3A_233 = vector.shape_cast %swap3A_232 : vector<16xi32> to vector<16xi32>
        %swap3A_234 = vector.shape_cast %broadcast_in_dim3A_206 : vector<16xi32> to vector<16xi32>
        tpu.vector_store %arg6[%swap3A_231], %swap3A_234 {strides = array<i32>} : memref<37632xi32, #tpu.memory_space<vmem>>, vector<16xi32>,
        %mul3A_235 = arith.constant 128 : i32
        %mul3A_236 = arith.muli %scan3A_211, %mul3A_235 : i32
        %add3A_237 = arith.constant 48 : i32
        %add3A_238 = arith.addi %mul3A_236, %add3A_237 : i32
        %swap3A_239 = arith.index_cast %add3A_238 : i32 to index
        %swap3A_240 = tpu.vector_load %arg6[%swap3A_239] {strides = array<i32>} : memref<37632xi32, #tpu.memory_space<vmem>>, vector<16xi32>,
        %swap3A_241 = vector.shape_cast %swap3A_240 : vector<16xi32> to vector<16xi32>
        %swap3A_242 = vector.shape_cast %broadcast_in_dim3A_206 : vector<16xi32> to vector<16xi32>
        tpu.vector_store %arg6[%swap3A_239], %swap3A_242 {strides = array<i32>} : memref<37632xi32, #tpu.memory_space<vmem>>, vector<16xi32>,
        %mul3A_243 = arith.constant 128 : i32
        %mul3A_244 = arith.muli %scan3A_211, %mul3A_243 : i32
        %add3A_245 = arith.constant 64 : i32
        %add3A_246 = arith.addi %mul3A_244, %add3A_245 : i32
        %swap3A_247 = arith.index_cast %add3A_246 : i32 to index
        %swap3A_248 = tpu.vector_load %arg6[%swap3A_247] {strides = array<i32>} : memref<37632xi32, #tpu.memory_space<vmem>>, vector<16xi32>,
        %swap3A_249 = vector.shape_cast %swap3A_248 : vector<16xi32> to vector<16xi32>
        %swap3A_250 = vector.shape_cast %broadcast_in_dim3A_206 : vector<16xi32> to vector<16xi32>
        tpu.vector_store %arg6[%swap3A_247], %swap3A_250 {strides = array<i32>} : memref<37632xi32, #tpu.memory_space<vmem>>, vector<16xi32>,
        %mul3A_251 = arith.constant 128 : i32
        %mul3A_252 = arith.muli %scan3A_211, %mul3A_251 : i32
        %add3A_253 = arith.constant 80 : i32
        %add3A_254 = arith.addi %mul3A_252, %add3A_253 : i32
        %swap3A_255 = arith.index_cast %add3A_254 : i32 to index
        %swap3A_256 = tpu.vector_load %arg6[%swap3A_255] {strides = array<i32>} : memref<37632xi32, #tpu.memory_space<vmem>>, vector<16xi32>,
        %swap3A_257 = vector.shape_cast %swap3A_256 : vector<16xi32> to vector<16xi32>
        %swap3A_258 = vector.shape_cast %broadcast_in_dim3A_206 : vector<16xi32> to vector<16xi32>
        tpu.vector_store %arg6[%swap3A_255], %swap3A_258 {strides = array<i32>} : memref<37632xi32, #tpu.memory_space<vmem>>, vector<16xi32>,
        %mul3A_259 = arith.constant 128 : i32
        %mul3A_260 = arith.muli %scan3A_211, %mul3A_259 : i32
        %add3A_261 = arith.constant 96 : i32
        %add3A_262 = arith.addi %mul3A_260, %add3A_261 : i32
        %swap3A_263 = arith.index_cast %add3A_262 : i32 to index
        %swap3A_264 = tpu.vector_load %arg6[%swap3A_263] {strides = array<i32>} : memref<37632xi32, #tpu.memory_space<vmem>>, vector<16xi32>,
        %swap3A_265 = vector.shape_cast %swap3A_264 : vector<16xi32> to vector<16xi32>
        %swap3A_266 = vector.shape_cast %broadcast_in_dim3A_206 : vector<16xi32> to vector<16xi32>
        tpu.vector_store %arg6[%swap3A_263], %swap3A_266 {strides = array<i32>} : memref<37632xi32, #tpu.memory_space<vmem>>, vector<16xi32>,
        %mul3A_267 = arith.constant 128 : i32
        %mul3A_268 = arith.muli %scan3A_211, %mul3A_267 : i32
        %add3A_269 = arith.constant 112 : i32
        %add3A_270 = arith.addi %mul3A_268, %add3A_269 : i32
        %swap3A_271 = arith.index_cast %add3A_270 : i32 to index
        %swap3A_272 = tpu.vector_load %arg6[%swap3A_271] {strides = array<i32>} : memref<37632xi32, #tpu.memory_space<vmem>>, vector<16xi32>,
        %swap3A_273 = vector.shape_cast %swap3A_272 : vector<16xi32> to vector<16xi32>
        %swap3A_274 = vector.shape_cast %broadcast_in_dim3A_206 : vector<16xi32> to vector<16xi32>
        tpu.vector_store %arg6[%swap3A_271], %swap3A_274 {strides = array<i32>} : memref<37632xi32, #tpu.memory_space<vmem>>, vector<16xi32>,
      }
      %scan3A_210 = arith.constant 294 : i32
    } else {
    }
    %dma_start3A_87 = tpu.memref_slice %arg3[%select_n3A, %add3A_78] : memref<4x2408448xi32, #tpu.memory_space<hbm>> -> memref<1x37632xi32, #tpu.memory_space<hbm>>
    %dma_start3A_88 = tpu.memref_squeeze %dma_start3A_87 : memref<1x37632xi32, #tpu.memory_space<hbm>> -> memref<37632xi32, #tpu.memory_space<hbm>>
    %dma_start3A_89 = tpu.memref_slice %arg3[%select_n3A, %add3A_78] : memref<4x2408448xi32, #tpu.memory_space<hbm>> -> memref<1x37632xi32, #tpu.memory_space<hbm>>
    %dma_start3A_90 = tpu.memref_squeeze %dma_start3A_89 : memref<1x37632xi32, #tpu.memory_space<hbm>> -> memref<37632xi32, #tpu.memory_space<hbm>>
    tpu.enqueue_dma source(%arg6 : memref<37632xi32, #tpu.memory_space<vmem>>) target(%dma_start3A_90 : memref<37632xi32, #tpu.memory_space<hbm>>) target_semaphore(%arg8 : memref<!tpu.dma_semaphore, #tpu.memory_space<semaphore_mem>>)
    %add3A_91 = arith.constant 75264 : i32
    %add3A_92 = arith.addi %mul3A_66, %add3A_91 : i32
    %dma_wait3A = tpu.memref_slice %arg3[%select_n3A, %add3A_68] : memref<4x2408448xi32, #tpu.memory_space<hbm>> -> memref<1x37632xi32, #tpu.memory_space<hbm>>
    %dma_wait3A_93 = tpu.memref_squeeze %dma_wait3A : memref<1x37632xi32, #tpu.memory_space<hbm>> -> memref<37632xi32, #tpu.memory_space<hbm>>
    %dma_wait3A_94 = tpu.memref_slice %arg3[%select_n3A, %add3A_68] : memref<4x2408448xi32, #tpu.memory_space<hbm>> -> memref<1x37632xi32, #tpu.memory_space<hbm>>
    %dma_wait3A_95 = tpu.memref_squeeze %dma_wait3A_94 : memref<1x37632xi32, #tpu.memory_space<hbm>> -> memref<37632xi32, #tpu.memory_space<hbm>>
    tpu.wait_dma2 semaphore(%arg7 : memref<!tpu.dma_semaphore, #tpu.memory_space<semaphore_mem>>) src(%arg5 : memref<37632xi32, #tpu.memory_space<vmem>>) dst(%dma_wait3A_95 : memref<37632xi32, #tpu.memory_space<hbm>>)
    %lt3A_96 = arith.cmpi slt, %add3A_92, %select_n3A_64 : i32
    %convert_element_type3A_97 = arith.extui %lt3A_96 : i1 to i32
    %cond3A_98 = arith.constant 0 : i32
    %cond3A_99 = arith.cmpi ne, %convert_element_type3A_97, %cond3A_98 : i32
    scf.if %cond3A_99 {
      %add3A_206 = arith.addi %select_n3A_55, %add3A_92 : i32
      %add3A_207 = vector.broadcast %add3A_206 : i32 to vector<16xi32>
      %add3A_208 = arith.addi %add3A_207, %iota3A : vector<16xi32>
      %scan3A = arith.constant 0 : i32
      %scan3A_209 = arith.constant 294 : i32
      %scan3A_210 = arith.addi %scan3A, %scan3A_209 : i32
      %scan3A_211 = arith.constant 1 : i32
      %scan3A_212 = scf.for %scan3A_214 = %scan3A to %scan3A_210 step %scan3A_211 iter_args(%scan3A_215 = %add3A_208) -> (vector<16xi32>)  : i32 {
        %add3A_216 = arith.constant 0 : i32
        %add3A_217 = vector.broadcast %add3A_216 : i32 to vector<16xi32>
        %add3A_218 = arith.addi %scan3A_215, %add3A_217 : vector<16xi32>
        %mul3A_219 = arith.constant 128 : i32
        %mul3A_220 = arith.muli %scan3A_214, %mul3A_219 : i32
        %add3A_221 = arith.constant 0 : i32
        %add3A_222 = arith.addi %mul3A_220, %add3A_221 : i32
        %swap3A = arith.index_cast %add3A_222 : i32 to index
        %swap3A_223 = tpu.vector_load %arg5[%swap3A] {strides = array<i32>} : memref<37632xi32, #tpu.memory_space<vmem>>, vector<16xi32>,
        %swap3A_224 = vector.shape_cast %swap3A_223 : vector<16xi32> to vector<16xi32>
        %swap3A_225 = vector.shape_cast %add3A_218 : vector<16xi32> to vector<16xi32>
        tpu.vector_store %arg5[%swap3A], %swap3A_225 {strides = array<i32>} : memref<37632xi32, #tpu.memory_space<vmem>>, vector<16xi32>,
        %add3A_226 = arith.constant 16 : i32
        %add3A_227 = vector.broadcast %add3A_226 : i32 to vector<16xi32>
        %add3A_228 = arith.addi %scan3A_215, %add3A_227 : vector<16xi32>
        %mul3A_229 = arith.constant 128 : i32
        %mul3A_230 = arith.muli %scan3A_214, %mul3A_229 : i32
        %add3A_231 = arith.constant 16 : i32
        %add3A_232 = arith.addi %mul3A_230, %add3A_231 : i32
        %swap3A_233 = arith.index_cast %add3A_232 : i32 to index
        %swap3A_234 = tpu.vector_load %arg5[%swap3A_233] {strides = array<i32>} : memref<37632xi32, #tpu.memory_space<vmem>>, vector<16xi32>,
        %swap3A_235 = vector.shape_cast %swap3A_234 : vector<16xi32> to vector<16xi32>
        %swap3A_236 = vector.shape_cast %add3A_228 : vector<16xi32> to vector<16xi32>
        tpu.vector_store %arg5[%swap3A_233], %swap3A_236 {strides = array<i32>} : memref<37632xi32, #tpu.memory_space<vmem>>, vector<16xi32>,
        %add3A_237 = arith.constant 32 : i32
        %add3A_238 = vector.broadcast %add3A_237 : i32 to vector<16xi32>
        %add3A_239 = arith.addi %scan3A_215, %add3A_238 : vector<16xi32>
        %mul3A_240 = arith.constant 128 : i32
        %mul3A_241 = arith.muli %scan3A_214, %mul3A_240 : i32
        %add3A_242 = arith.constant 32 : i32
        %add3A_243 = arith.addi %mul3A_241, %add3A_242 : i32
        %swap3A_244 = arith.index_cast %add3A_243 : i32 to index
        %swap3A_245 = tpu.vector_load %arg5[%swap3A_244] {strides = array<i32>} : memref<37632xi32, #tpu.memory_space<vmem>>, vector<16xi32>,
        %swap3A_246 = vector.shape_cast %swap3A_245 : vector<16xi32> to vector<16xi32>
        %swap3A_247 = vector.shape_cast %add3A_239 : vector<16xi32> to vector<16xi32>
        tpu.vector_store %arg5[%swap3A_244], %swap3A_247 {strides = array<i32>} : memref<37632xi32, #tpu.memory_space<vmem>>, vector<16xi32>,
        %add3A_248 = arith.constant 48 : i32
        %add3A_249 = vector.broadcast %add3A_248 : i32 to vector<16xi32>
        %add3A_250 = arith.addi %scan3A_215, %add3A_249 : vector<16xi32>
        %mul3A_251 = arith.constant 128 : i32
        %mul3A_252 = arith.muli %scan3A_214, %mul3A_251 : i32
        %add3A_253 = arith.constant 48 : i32
        %add3A_254 = arith.addi %mul3A_252, %add3A_253 : i32
        %swap3A_255 = arith.index_cast %add3A_254 : i32 to index
        %swap3A_256 = tpu.vector_load %arg5[%swap3A_255] {strides = array<i32>} : memref<37632xi32, #tpu.memory_space<vmem>>, vector<16xi32>,
        %swap3A_257 = vector.shape_cast %swap3A_256 : vector<16xi32> to vector<16xi32>
        %swap3A_258 = vector.shape_cast %add3A_250 : vector<16xi32> to vector<16xi32>
        tpu.vector_store %arg5[%swap3A_255], %swap3A_258 {strides = array<i32>} : memref<37632xi32, #tpu.memory_space<vmem>>, vector<16xi32>,
        %add3A_259 = arith.constant 64 : i32
        %add3A_260 = vector.broadcast %add3A_259 : i32 to vector<16xi32>
        %add3A_261 = arith.addi %scan3A_215, %add3A_260 : vector<16xi32>
        %mul3A_262 = arith.constant 128 : i32
        %mul3A_263 = arith.muli %scan3A_214, %mul3A_262 : i32
        %add3A_264 = arith.constant 64 : i32
        %add3A_265 = arith.addi %mul3A_263, %add3A_264 : i32
        %swap3A_266 = arith.index_cast %add3A_265 : i32 to index
        %swap3A_267 = tpu.vector_load %arg5[%swap3A_266] {strides = array<i32>} : memref<37632xi32, #tpu.memory_space<vmem>>, vector<16xi32>,
        %swap3A_268 = vector.shape_cast %swap3A_267 : vector<16xi32> to vector<16xi32>
        %swap3A_269 = vector.shape_cast %add3A_261 : vector<16xi32> to vector<16xi32>
        tpu.vector_store %arg5[%swap3A_266], %swap3A_269 {strides = array<i32>} : memref<37632xi32, #tpu.memory_space<vmem>>, vector<16xi32>,
        %add3A_270 = arith.constant 80 : i32
        %add3A_271 = vector.broadcast %add3A_270 : i32 to vector<16xi32>
        %add3A_272 = arith.addi %scan3A_215, %add3A_271 : vector<16xi32>
        %mul3A_273 = arith.constant 128 : i32
        %mul3A_274 = arith.muli %scan3A_214, %mul3A_273 : i32
        %add3A_275 = arith.constant 80 : i32
        %add3A_276 = arith.addi %mul3A_274, %add3A_275 : i32
        %swap3A_277 = arith.index_cast %add3A_276 : i32 to index
        %swap3A_278 = tpu.vector_load %arg5[%swap3A_277] {strides = array<i32>} : memref<37632xi32, #tpu.memory_space<vmem>>, vector<16xi32>,
        %swap3A_279 = vector.shape_cast %swap3A_278 : vector<16xi32> to vector<16xi32>
        %swap3A_280 = vector.shape_cast %add3A_272 : vector<16xi32> to vector<16xi32>
        tpu.vector_store %arg5[%swap3A_277], %swap3A_280 {strides = array<i32>} : memref<37632xi32, #tpu.memory_space<vmem>>, vector<16xi32>,
        %add3A_281 = arith.constant 96 : i32
        %add3A_282 = vector.broadcast %add3A_281 : i32 to vector<16xi32>
        %add3A_283 = arith.addi %scan3A_215, %add3A_282 : vector<16xi32>
        %mul3A_284 = arith.constant 128 : i32
        %mul3A_285 = arith.muli %scan3A_214, %mul3A_284 : i32
        %add3A_286 = arith.constant 96 : i32
        %add3A_287 = arith.addi %mul3A_285, %add3A_286 : i32
        %swap3A_288 = arith.index_cast %add3A_287 : i32 to index
        %swap3A_289 = tpu.vector_load %arg5[%swap3A_288] {strides = array<i32>} : memref<37632xi32, #tpu.memory_space<vmem>>, vector<16xi32>,
        %swap3A_290 = vector.shape_cast %swap3A_289 : vector<16xi32> to vector<16xi32>
        %swap3A_291 = vector.shape_cast %add3A_283 : vector<16xi32> to vector<16xi32>
        tpu.vector_store %arg5[%swap3A_288], %swap3A_291 {strides = array<i32>} : memref<37632xi32, #tpu.memory_space<vmem>>, vector<16xi32>,
        %add3A_292 = arith.constant 112 : i32
        %add3A_293 = vector.broadcast %add3A_292 : i32 to vector<16xi32>
        %add3A_294 = arith.addi %scan3A_215, %add3A_293 : vector<16xi32>
        %mul3A_295 = arith.constant 128 : i32
        %mul3A_296 = arith.muli %scan3A_214, %mul3A_295 : i32
        %add3A_297 = arith.constant 112 : i32
        %add3A_298 = arith.addi %mul3A_296, %add3A_297 : i32
        %swap3A_299 = arith.index_cast %add3A_298 : i32 to index
        %swap3A_300 = tpu.vector_load %arg5[%swap3A_299] {strides = array<i32>} : memref<37632xi32, #tpu.memory_space<vmem>>, vector<16xi32>,
        %swap3A_301 = vector.shape_cast %swap3A_300 : vector<16xi32> to vector<16xi32>
        %swap3A_302 = vector.shape_cast %add3A_294 : vector<16xi32> to vector<16xi32>
        tpu.vector_store %arg5[%swap3A_299], %swap3A_302 {strides = array<i32>} : memref<37632xi32, #tpu.memory_space<vmem>>, vector<16xi32>,
        %add3A_303 = arith.constant 128 : i32
        %add3A_304 = vector.broadcast %add3A_303 : i32 to vector<16xi32>
        %add3A_305 = arith.addi %scan3A_215, %add3A_304 : vector<16xi32>
        scf.yield %add3A_305 : vector<16xi32>
      }
      %scan3A_213 = arith.constant 294 : i32
    } else {
    }
    %ge3A_100 = arith.cmpi sge, %add3A_92, %select_n3A_64 : i32
    %convert_element_type3A_101 = arith.extui %ge3A_100 : i1 to i32
    %cond3A_102 = arith.constant 0 : i32
    %cond3A_103 = arith.cmpi ne, %convert_element_type3A_101, %cond3A_102 : i32
    scf.if %cond3A_103 {
      %broadcast_in_dim3A = arith.constant 2408448 : i32
      %broadcast_in_dim3A_206 = vector.broadcast %broadcast_in_dim3A : i32 to vector<16xi32>
      %scan3A = arith.constant 0 : i32
      %scan3A_207 = arith.constant 294 : i32
      %scan3A_208 = arith.addi %scan3A, %scan3A_207 : i32
      %scan3A_209 = arith.constant 1 : i32
      scf.for %scan3A_211 = %scan3A to %scan3A_208 step %scan3A_209  : i32 {
        %mul3A_212 = arith.constant 128 : i32
        %mul3A_213 = arith.muli %scan3A_211, %mul3A_212 : i32
        %add3A_214 = arith.constant 0 : i32
        %add3A_215 = arith.addi %mul3A_213, %add3A_214 : i32
        %swap3A = arith.index_cast %add3A_215 : i32 to index
        %swap3A_216 = tpu.vector_load %arg5[%swap3A] {strides = array<i32>} : memref<37632xi32, #tpu.memory_space<vmem>>, vector<16xi32>,
        %swap3A_217 = vector.shape_cast %swap3A_216 : vector<16xi32> to vector<16xi32>
        %swap3A_218 = vector.shape_cast %broadcast_in_dim3A_206 : vector<16xi32> to vector<16xi32>
        tpu.vector_store %arg5[%swap3A], %swap3A_218 {strides = array<i32>} : memref<37632xi32, #tpu.memory_space<vmem>>, vector<16xi32>,
        %mul3A_219 = arith.constant 128 : i32
        %mul3A_220 = arith.muli %scan3A_211, %mul3A_219 : i32
        %add3A_221 = arith.constant 16 : i32
        %add3A_222 = arith.addi %mul3A_220, %add3A_221 : i32
        %swap3A_223 = arith.index_cast %add3A_222 : i32 to index
        %swap3A_224 = tpu.vector_load %arg5[%swap3A_223] {strides = array<i32>} : memref<37632xi32, #tpu.memory_space<vmem>>, vector<16xi32>,
        %swap3A_225 = vector.shape_cast %swap3A_224 : vector<16xi32> to vector<16xi32>
        %swap3A_226 = vector.shape_cast %broadcast_in_dim3A_206 : vector<16xi32> to vector<16xi32>
        tpu.vector_store %arg5[%swap3A_223], %swap3A_226 {strides = array<i32>} : memref<37632xi32, #tpu.memory_space<vmem>>, vector<16xi32>,
        %mul3A_227 = arith.constant 128 : i32
        %mul3A_228 = arith.muli %scan3A_211, %mul3A_227 : i32
        %add3A_229 = arith.constant 32 : i32
        %add3A_230 = arith.addi %mul3A_228, %add3A_229 : i32
        %swap3A_231 = arith.index_cast %add3A_230 : i32 to index
        %swap3A_232 = tpu.vector_load %arg5[%swap3A_231] {strides = array<i32>} : memref<37632xi32, #tpu.memory_space<vmem>>, vector<16xi32>,
        %swap3A_233 = vector.shape_cast %swap3A_232 : vector<16xi32> to vector<16xi32>
        %swap3A_234 = vector.shape_cast %broadcast_in_dim3A_206 : vector<16xi32> to vector<16xi32>
        tpu.vector_store %arg5[%swap3A_231], %swap3A_234 {strides = array<i32>} : memref<37632xi32, #tpu.memory_space<vmem>>, vector<16xi32>,
        %mul3A_235 = arith.constant 128 : i32
        %mul3A_236 = arith.muli %scan3A_211, %mul3A_235 : i32
        %add3A_237 = arith.constant 48 : i32
        %add3A_238 = arith.addi %mul3A_236, %add3A_237 : i32
        %swap3A_239 = arith.index_cast %add3A_238 : i32 to index
        %swap3A_240 = tpu.vector_load %arg5[%swap3A_239] {strides = array<i32>} : memref<37632xi32, #tpu.memory_space<vmem>>, vector<16xi32>,
        %swap3A_241 = vector.shape_cast %swap3A_240 : vector<16xi32> to vector<16xi32>
        %swap3A_242 = vector.shape_cast %broadcast_in_dim3A_206 : vector<16xi32> to vector<16xi32>
        tpu.vector_store %arg5[%swap3A_239], %swap3A_242 {strides = array<i32>} : memref<37632xi32, #tpu.memory_space<vmem>>, vector<16xi32>,
        %mul3A_243 = arith.constant 128 : i32
        %mul3A_244 = arith.muli %scan3A_211, %mul3A_243 : i32
        %add3A_245 = arith.constant 64 : i32
        %add3A_246 = arith.addi %mul3A_244, %add3A_245 : i32
        %swap3A_247 = arith.index_cast %add3A_246 : i32 to index
        %swap3A_248 = tpu.vector_load %arg5[%swap3A_247] {strides = array<i32>} : memref<37632xi32, #tpu.memory_space<vmem>>, vector<16xi32>,
        %swap3A_249 = vector.shape_cast %swap3A_248 : vector<16xi32> to vector<16xi32>
        %swap3A_250 = vector.shape_cast %broadcast_in_dim3A_206 : vector<16xi32> to vector<16xi32>
        tpu.vector_store %arg5[%swap3A_247], %swap3A_250 {strides = array<i32>} : memref<37632xi32, #tpu.memory_space<vmem>>, vector<16xi32>,
        %mul3A_251 = arith.constant 128 : i32
        %mul3A_252 = arith.muli %scan3A_211, %mul3A_251 : i32
        %add3A_253 = arith.constant 80 : i32
        %add3A_254 = arith.addi %mul3A_252, %add3A_253 : i32
        %swap3A_255 = arith.index_cast %add3A_254 : i32 to index
        %swap3A_256 = tpu.vector_load %arg5[%swap3A_255] {strides = array<i32>} : memref<37632xi32, #tpu.memory_space<vmem>>, vector<16xi32>,
        %swap3A_257 = vector.shape_cast %swap3A_256 : vector<16xi32> to vector<16xi32>
        %swap3A_258 = vector.shape_cast %broadcast_in_dim3A_206 : vector<16xi32> to vector<16xi32>
        tpu.vector_store %arg5[%swap3A_255], %swap3A_258 {strides = array<i32>} : memref<37632xi32, #tpu.memory_space<vmem>>, vector<16xi32>,
        %mul3A_259 = arith.constant 128 : i32
        %mul3A_260 = arith.muli %scan3A_211, %mul3A_259 : i32
        %add3A_261 = arith.constant 96 : i32
        %add3A_262 = arith.addi %mul3A_260, %add3A_261 : i32
        %swap3A_263 = arith.index_cast %add3A_262 : i32 to index
        %swap3A_264 = tpu.vector_load %arg5[%swap3A_263] {strides = array<i32>} : memref<37632xi32, #tpu.memory_space<vmem>>, vector<16xi32>,
        %swap3A_265 = vector.shape_cast %swap3A_264 : vector<16xi32> to vector<16xi32>
        %swap3A_266 = vector.shape_cast %broadcast_in_dim3A_206 : vector<16xi32> to vector<16xi32>
        tpu.vector_store %arg5[%swap3A_263], %swap3A_266 {strides = array<i32>} : memref<37632xi32, #tpu.memory_space<vmem>>, vector<16xi32>,
        %mul3A_267 = arith.constant 128 : i32
        %mul3A_268 = arith.muli %scan3A_211, %mul3A_267 : i32
        %add3A_269 = arith.constant 112 : i32
        %add3A_270 = arith.addi %mul3A_268, %add3A_269 : i32
        %swap3A_271 = arith.index_cast %add3A_270 : i32 to index
        %swap3A_272 = tpu.vector_load %arg5[%swap3A_271] {strides = array<i32>} : memref<37632xi32, #tpu.memory_space<vmem>>, vector<16xi32>,
        %swap3A_273 = vector.shape_cast %swap3A_272 : vector<16xi32> to vector<16xi32>
        %swap3A_274 = vector.shape_cast %broadcast_in_dim3A_206 : vector<16xi32> to vector<16xi32>
        tpu.vector_store %arg5[%swap3A_271], %swap3A_274 {strides = array<i32>} : memref<37632xi32, #tpu.memory_space<vmem>>, vector<16xi32>,
      }
      %scan3A_210 = arith.constant 294 : i32
    } else {
    }
    %dma_start3A_104 = tpu.memref_slice %arg3[%select_n3A, %add3A_92] : memref<4x2408448xi32, #tpu.memory_space<hbm>> -> memref<1x37632xi32, #tpu.memory_space<hbm>>
    %dma_start3A_105 = tpu.memref_squeeze %dma_start3A_104 : memref<1x37632xi32, #tpu.memory_space<hbm>> -> memref<37632xi32, #tpu.memory_space<hbm>>
    %dma_start3A_106 = tpu.memref_slice %arg3[%select_n3A, %add3A_92] : memref<4x2408448xi32, #tpu.memory_space<hbm>> -> memref<1x37632xi32, #tpu.memory_space<hbm>>
    %dma_start3A_107 = tpu.memref_squeeze %dma_start3A_106 : memref<1x37632xi32, #tpu.memory_space<hbm>> -> memref<37632xi32, #tpu.memory_space<hbm>>
    tpu.enqueue_dma source(%arg5 : memref<37632xi32, #tpu.memory_space<vmem>>) target(%dma_start3A_107 : memref<37632xi32, #tpu.memory_space<hbm>>) target_semaphore(%arg7 : memref<!tpu.dma_semaphore, #tpu.memory_space<semaphore_mem>>)
    %add3A_108 = arith.constant 112896 : i32
    %add3A_109 = arith.addi %mul3A_66, %add3A_108 : i32
    %dma_wait3A_110 = tpu.memref_slice %arg3[%select_n3A, %add3A_78] : memref<4x2408448xi32, #tpu.memory_space<hbm>> -> memref<1x37632xi32, #tpu.memory_space<hbm>>
    %dma_wait3A_111 = tpu.memref_squeeze %dma_wait3A_110 : memref<1x37632xi32, #tpu.memory_space<hbm>> -> memref<37632xi32, #tpu.memory_space<hbm>>
    %dma_wait3A_112 = tpu.memref_slice %arg3[%select_n3A, %add3A_78] : memref<4x2408448xi32, #tpu.memory_space<hbm>> -> memref<1x37632xi32, #tpu.memory_space<hbm>>
    %dma_wait3A_113 = tpu.memref_squeeze %dma_wait3A_112 : memref<1x37632xi32, #tpu.memory_space<hbm>> -> memref<37632xi32, #tpu.memory_space<hbm>>
    tpu.wait_dma2 semaphore(%arg8 : memref<!tpu.dma_semaphore, #tpu.memory_space<semaphore_mem>>) src(%arg6 : memref<37632xi32, #tpu.memory_space<vmem>>) dst(%dma_wait3A_113 : memref<37632xi32, #tpu.memory_space<hbm>>)
    %lt3A_114 = arith.cmpi slt, %add3A_109, %select_n3A_64 : i32
    %convert_element_type3A_115 = arith.extui %lt3A_114 : i1 to i32
    %cond3A_116 = arith.constant 0 : i32
    %cond3A_117 = arith.cmpi ne, %convert_element_type3A_115, %cond3A_116 : i32
    scf.if %cond3A_117 {
      %add3A_206 = arith.addi %select_n3A_55, %add3A_109 : i32
      %add3A_207 = vector.broadcast %add3A_206 : i32 to vector<16xi32>
      %add3A_208 = arith.addi %add3A_207, %iota3A : vector<16xi32>
      %scan3A = arith.constant 0 : i32
      %scan3A_209 = arith.constant 294 : i32
      %scan3A_210 = arith.addi %scan3A, %scan3A_209 : i32
      %scan3A_211 = arith.constant 1 : i32
      %scan3A_212 = scf.for %scan3A_214 = %scan3A to %scan3A_210 step %scan3A_211 iter_args(%scan3A_215 = %add3A_208) -> (vector<16xi32>)  : i32 {
        %add3A_216 = arith.constant 0 : i32
        %add3A_217 = vector.broadcast %add3A_216 : i32 to vector<16xi32>
        %add3A_218 = arith.addi %scan3A_215, %add3A_217 : vector<16xi32>
        %mul3A_219 = arith.constant 128 : i32
        %mul3A_220 = arith.muli %scan3A_214, %mul3A_219 : i32
        %add3A_221 = arith.constant 0 : i32
        %add3A_222 = arith.addi %mul3A_220, %add3A_221 : i32
        %swap3A = arith.index_cast %add3A_222 : i32 to index
        %swap3A_223 = tpu.vector_load %arg6[%swap3A] {strides = array<i32>} : memref<37632xi32, #tpu.memory_space<vmem>>, vector<16xi32>,
        %swap3A_224 = vector.shape_cast %swap3A_223 : vector<16xi32> to vector<16xi32>
        %swap3A_225 = vector.shape_cast %add3A_218 : vector<16xi32> to vector<16xi32>
        tpu.vector_store %arg6[%swap3A], %swap3A_225 {strides = array<i32>} : memref<37632xi32, #tpu.memory_space<vmem>>, vector<16xi32>,
        %add3A_226 = arith.constant 16 : i32
        %add3A_227 = vector.broadcast %add3A_226 : i32 to vector<16xi32>
        %add3A_228 = arith.addi %scan3A_215, %add3A_227 : vector<16xi32>
        %mul3A_229 = arith.constant 128 : i32
        %mul3A_230 = arith.muli %scan3A_214, %mul3A_229 : i32
        %add3A_231 = arith.constant 16 : i32
        %add3A_232 = arith.addi %mul3A_230, %add3A_231 : i32
        %swap3A_233 = arith.index_cast %add3A_232 : i32 to index
        %swap3A_234 = tpu.vector_load %arg6[%swap3A_233] {strides = array<i32>} : memref<37632xi32, #tpu.memory_space<vmem>>, vector<16xi32>,
        %swap3A_235 = vector.shape_cast %swap3A_234 : vector<16xi32> to vector<16xi32>
        %swap3A_236 = vector.shape_cast %add3A_228 : vector<16xi32> to vector<16xi32>
        tpu.vector_store %arg6[%swap3A_233], %swap3A_236 {strides = array<i32>} : memref<37632xi32, #tpu.memory_space<vmem>>, vector<16xi32>,
        %add3A_237 = arith.constant 32 : i32
        %add3A_238 = vector.broadcast %add3A_237 : i32 to vector<16xi32>
        %add3A_239 = arith.addi %scan3A_215, %add3A_238 : vector<16xi32>
        %mul3A_240 = arith.constant 128 : i32
        %mul3A_241 = arith.muli %scan3A_214, %mul3A_240 : i32
        %add3A_242 = arith.constant 32 : i32
        %add3A_243 = arith.addi %mul3A_241, %add3A_242 : i32
        %swap3A_244 = arith.index_cast %add3A_243 : i32 to index
        %swap3A_245 = tpu.vector_load %arg6[%swap3A_244] {strides = array<i32>} : memref<37632xi32, #tpu.memory_space<vmem>>, vector<16xi32>,
        %swap3A_246 = vector.shape_cast %swap3A_245 : vector<16xi32> to vector<16xi32>
        %swap3A_247 = vector.shape_cast %add3A_239 : vector<16xi32> to vector<16xi32>
        tpu.vector_store %arg6[%swap3A_244], %swap3A_247 {strides = array<i32>} : memref<37632xi32, #tpu.memory_space<vmem>>, vector<16xi32>,
        %add3A_248 = arith.constant 48 : i32
        %add3A_249 = vector.broadcast %add3A_248 : i32 to vector<16xi32>
        %add3A_250 = arith.addi %scan3A_215, %add3A_249 : vector<16xi32>
        %mul3A_251 = arith.constant 128 : i32
        %mul3A_252 = arith.muli %scan3A_214, %mul3A_251 : i32
        %add3A_253 = arith.constant 48 : i32
        %add3A_254 = arith.addi %mul3A_252, %add3A_253 : i32
        %swap3A_255 = arith.index_cast %add3A_254 : i32 to index
        %swap3A_256 = tpu.vector_load %arg6[%swap3A_255] {strides = array<i32>} : memref<37632xi32, #tpu.memory_space<vmem>>, vector<16xi32>,
        %swap3A_257 = vector.shape_cast %swap3A_256 : vector<16xi32> to vector<16xi32>
        %swap3A_258 = vector.shape_cast %add3A_250 : vector<16xi32> to vector<16xi32>
        tpu.vector_store %arg6[%swap3A_255], %swap3A_258 {strides = array<i32>} : memref<37632xi32, #tpu.memory_space<vmem>>, vector<16xi32>,
        %add3A_259 = arith.constant 64 : i32
        %add3A_260 = vector.broadcast %add3A_259 : i32 to vector<16xi32>
        %add3A_261 = arith.addi %scan3A_215, %add3A_260 : vector<16xi32>
        %mul3A_262 = arith.constant 128 : i32
        %mul3A_263 = arith.muli %scan3A_214, %mul3A_262 : i32
        %add3A_264 = arith.constant 64 : i32
        %add3A_265 = arith.addi %mul3A_263, %add3A_264 : i32
        %swap3A_266 = arith.index_cast %add3A_265 : i32 to index
        %swap3A_267 = tpu.vector_load %arg6[%swap3A_266] {strides = array<i32>} : memref<37632xi32, #tpu.memory_space<vmem>>, vector<16xi32>,
        %swap3A_268 = vector.shape_cast %swap3A_267 : vector<16xi32> to vector<16xi32>
        %swap3A_269 = vector.shape_cast %add3A_261 : vector<16xi32> to vector<16xi32>
        tpu.vector_store %arg6[%swap3A_266], %swap3A_269 {strides = array<i32>} : memref<37632xi32, #tpu.memory_space<vmem>>, vector<16xi32>,
        %add3A_270 = arith.constant 80 : i32
        %add3A_271 = vector.broadcast %add3A_270 : i32 to vector<16xi32>
        %add3A_272 = arith.addi %scan3A_215, %add3A_271 : vector<16xi32>
        %mul3A_273 = arith.constant 128 : i32
        %mul3A_274 = arith.muli %scan3A_214, %mul3A_273 : i32
        %add3A_275 = arith.constant 80 : i32
        %add3A_276 = arith.addi %mul3A_274, %add3A_275 : i32
        %swap3A_277 = arith.index_cast %add3A_276 : i32 to index
        %swap3A_278 = tpu.vector_load %arg6[%swap3A_277] {strides = array<i32>} : memref<37632xi32, #tpu.memory_space<vmem>>, vector<16xi32>,
        %swap3A_279 = vector.shape_cast %swap3A_278 : vector<16xi32> to vector<16xi32>
        %swap3A_280 = vector.shape_cast %add3A_272 : vector<16xi32> to vector<16xi32>
        tpu.vector_store %arg6[%swap3A_277], %swap3A_280 {strides = array<i32>} : memref<37632xi32, #tpu.memory_space<vmem>>, vector<16xi32>,
        %add3A_281 = arith.constant 96 : i32
        %add3A_282 = vector.broadcast %add3A_281 : i32 to vector<16xi32>
        %add3A_283 = arith.addi %scan3A_215, %add3A_282 : vector<16xi32>
        %mul3A_284 = arith.constant 128 : i32
        %mul3A_285 = arith.muli %scan3A_214, %mul3A_284 : i32
        %add3A_286 = arith.constant 96 : i32
        %add3A_287 = arith.addi %mul3A_285, %add3A_286 : i32
        %swap3A_288 = arith.index_cast %add3A_287 : i32 to index
        %swap3A_289 = tpu.vector_load %arg6[%swap3A_288] {strides = array<i32>} : memref<37632xi32, #tpu.memory_space<vmem>>, vector<16xi32>,
        %swap3A_290 = vector.shape_cast %swap3A_289 : vector<16xi32> to vector<16xi32>
        %swap3A_291 = vector.shape_cast %add3A_283 : vector<16xi32> to vector<16xi32>
        tpu.vector_store %arg6[%swap3A_288], %swap3A_291 {strides = array<i32>} : memref<37632xi32, #tpu.memory_space<vmem>>, vector<16xi32>,
        %add3A_292 = arith.constant 112 : i32
        %add3A_293 = vector.broadcast %add3A_292 : i32 to vector<16xi32>
        %add3A_294 = arith.addi %scan3A_215, %add3A_293 : vector<16xi32>
        %mul3A_295 = arith.constant 128 : i32
        %mul3A_296 = arith.muli %scan3A_214, %mul3A_295 : i32
        %add3A_297 = arith.constant 112 : i32
        %add3A_298 = arith.addi %mul3A_296, %add3A_297 : i32
        %swap3A_299 = arith.index_cast %add3A_298 : i32 to index
        %swap3A_300 = tpu.vector_load %arg6[%swap3A_299] {strides = array<i32>} : memref<37632xi32, #tpu.memory_space<vmem>>, vector<16xi32>,
        %swap3A_301 = vector.shape_cast %swap3A_300 : vector<16xi32> to vector<16xi32>
        %swap3A_302 = vector.shape_cast %add3A_294 : vector<16xi32> to vector<16xi32>
        tpu.vector_store %arg6[%swap3A_299], %swap3A_302 {strides = array<i32>} : memref<37632xi32, #tpu.memory_space<vmem>>, vector<16xi32>,
        %add3A_303 = arith.constant 128 : i32
        %add3A_304 = vector.broadcast %add3A_303 : i32 to vector<16xi32>
        %add3A_305 = arith.addi %scan3A_215, %add3A_304 : vector<16xi32>
        scf.yield %add3A_305 : vector<16xi32>
      }
      %scan3A_213 = arith.constant 294 : i32
    } else {
    }
    %ge3A_118 = arith.cmpi sge, %add3A_109, %select_n3A_64 : i32
    %convert_element_type3A_119 = arith.extui %ge3A_118 : i1 to i32
    %cond3A_120 = arith.constant 0 : i32
    %cond3A_121 = arith.cmpi ne, %convert_element_type3A_119, %cond3A_120 : i32
    scf.if %cond3A_121 {
      %broadcast_in_dim3A = arith.constant 2408448 : i32
      %broadcast_in_dim3A_206 = vector.broadcast %broadcast_in_dim3A : i32 to vector<16xi32>
      %scan3A = arith.constant 0 : i32
      %scan3A_207 = arith.constant 294 : i32
      %scan3A_208 = arith.addi %scan3A, %scan3A_207 : i32
      %scan3A_209 = arith.constant 1 : i32
      scf.for %scan3A_211 = %scan3A to %scan3A_208 step %scan3A_209  : i32 {
        %mul3A_212 = arith.constant 128 : i32
        %mul3A_213 = arith.muli %scan3A_211, %mul3A_212 : i32
        %add3A_214 = arith.constant 0 : i32
        %add3A_215 = arith.addi %mul3A_213, %add3A_214 : i32
        %swap3A = arith.index_cast %add3A_215 : i32 to index
        %swap3A_216 = tpu.vector_load %arg6[%swap3A] {strides = array<i32>} : memref<37632xi32, #tpu.memory_space<vmem>>, vector<16xi32>,
        %swap3A_217 = vector.shape_cast %swap3A_216 : vector<16xi32> to vector<16xi32>
        %swap3A_218 = vector.shape_cast %broadcast_in_dim3A_206 : vector<16xi32> to vector<16xi32>
        tpu.vector_store %arg6[%swap3A], %swap3A_218 {strides = array<i32>} : memref<37632xi32, #tpu.memory_space<vmem>>, vector<16xi32>,
        %mul3A_219 = arith.constant 128 : i32
        %mul3A_220 = arith.muli %scan3A_211, %mul3A_219 : i32
        %add3A_221 = arith.constant 16 : i32
        %add3A_222 = arith.addi %mul3A_220, %add3A_221 : i32
        %swap3A_223 = arith.index_cast %add3A_222 : i32 to index
        %swap3A_224 = tpu.vector_load %arg6[%swap3A_223] {strides = array<i32>} : memref<37632xi32, #tpu.memory_space<vmem>>, vector<16xi32>,
        %swap3A_225 = vector.shape_cast %swap3A_224 : vector<16xi32> to vector<16xi32>
        %swap3A_226 = vector.shape_cast %broadcast_in_dim3A_206 : vector<16xi32> to vector<16xi32>
        tpu.vector_store %arg6[%swap3A_223], %swap3A_226 {strides = array<i32>} : memref<37632xi32, #tpu.memory_space<vmem>>, vector<16xi32>,
        %mul3A_227 = arith.constant 128 : i32
        %mul3A_228 = arith.muli %scan3A_211, %mul3A_227 : i32
        %add3A_229 = arith.constant 32 : i32
        %add3A_230 = arith.addi %mul3A_228, %add3A_229 : i32
        %swap3A_231 = arith.index_cast %add3A_230 : i32 to index
        %swap3A_232 = tpu.vector_load %arg6[%swap3A_231] {strides = array<i32>} : memref<37632xi32, #tpu.memory_space<vmem>>, vector<16xi32>,
        %swap3A_233 = vector.shape_cast %swap3A_232 : vector<16xi32> to vector<16xi32>
        %swap3A_234 = vector.shape_cast %broadcast_in_dim3A_206 : vector<16xi32> to vector<16xi32>
        tpu.vector_store %arg6[%swap3A_231], %swap3A_234 {strides = array<i32>} : memref<37632xi32, #tpu.memory_space<vmem>>, vector<16xi32>,
        %mul3A_235 = arith.constant 128 : i32
        %mul3A_236 = arith.muli %scan3A_211, %mul3A_235 : i32
        %add3A_237 = arith.constant 48 : i32
        %add3A_238 = arith.addi %mul3A_236, %add3A_237 : i32
        %swap3A_239 = arith.index_cast %add3A_238 : i32 to index
        %swap3A_240 = tpu.vector_load %arg6[%swap3A_239] {strides = array<i32>} : memref<37632xi32, #tpu.memory_space<vmem>>, vector<16xi32>,
        %swap3A_241 = vector.shape_cast %swap3A_240 : vector<16xi32> to vector<16xi32>
        %swap3A_242 = vector.shape_cast %broadcast_in_dim3A_206 : vector<16xi32> to vector<16xi32>
        tpu.vector_store %arg6[%swap3A_239], %swap3A_242 {strides = array<i32>} : memref<37632xi32, #tpu.memory_space<vmem>>, vector<16xi32>,
        %mul3A_243 = arith.constant 128 : i32
        %mul3A_244 = arith.muli %scan3A_211, %mul3A_243 : i32
        %add3A_245 = arith.constant 64 : i32
        %add3A_246 = arith.addi %mul3A_244, %add3A_245 : i32
        %swap3A_247 = arith.index_cast %add3A_246 : i32 to index
        %swap3A_248 = tpu.vector_load %arg6[%swap3A_247] {strides = array<i32>} : memref<37632xi32, #tpu.memory_space<vmem>>, vector<16xi32>,
        %swap3A_249 = vector.shape_cast %swap3A_248 : vector<16xi32> to vector<16xi32>
        %swap3A_250 = vector.shape_cast %broadcast_in_dim3A_206 : vector<16xi32> to vector<16xi32>
        tpu.vector_store %arg6[%swap3A_247], %swap3A_250 {strides = array<i32>} : memref<37632xi32, #tpu.memory_space<vmem>>, vector<16xi32>,
        %mul3A_251 = arith.constant 128 : i32
        %mul3A_252 = arith.muli %scan3A_211, %mul3A_251 : i32
        %add3A_253 = arith.constant 80 : i32
        %add3A_254 = arith.addi %mul3A_252, %add3A_253 : i32
        %swap3A_255 = arith.index_cast %add3A_254 : i32 to index
        %swap3A_256 = tpu.vector_load %arg6[%swap3A_255] {strides = array<i32>} : memref<37632xi32, #tpu.memory_space<vmem>>, vector<16xi32>,
        %swap3A_257 = vector.shape_cast %swap3A_256 : vector<16xi32> to vector<16xi32>
        %swap3A_258 = vector.shape_cast %broadcast_in_dim3A_206 : vector<16xi32> to vector<16xi32>
        tpu.vector_store %arg6[%swap3A_255], %swap3A_258 {strides = array<i32>} : memref<37632xi32, #tpu.memory_space<vmem>>, vector<16xi32>,
        %mul3A_259 = arith.constant 128 : i32
        %mul3A_260 = arith.muli %scan3A_211, %mul3A_259 : i32
        %add3A_261 = arith.constant 96 : i32
        %add3A_262 = arith.addi %mul3A_260, %add3A_261 : i32
        %swap3A_263 = arith.index_cast %add3A_262 : i32 to index
        %swap3A_264 = tpu.vector_load %arg6[%swap3A_263] {strides = array<i32>} : memref<37632xi32, #tpu.memory_space<vmem>>, vector<16xi32>,
        %swap3A_265 = vector.shape_cast %swap3A_264 : vector<16xi32> to vector<16xi32>
        %swap3A_266 = vector.shape_cast %broadcast_in_dim3A_206 : vector<16xi32> to vector<16xi32>
        tpu.vector_store %arg6[%swap3A_263], %swap3A_266 {strides = array<i32>} : memref<37632xi32, #tpu.memory_space<vmem>>, vector<16xi32>,
        %mul3A_267 = arith.constant 128 : i32
        %mul3A_268 = arith.muli %scan3A_211, %mul3A_267 : i32
        %add3A_269 = arith.constant 112 : i32
        %add3A_270 = arith.addi %mul3A_268, %add3A_269 : i32
        %swap3A_271 = arith.index_cast %add3A_270 : i32 to index
        %swap3A_272 = tpu.vector_load %arg6[%swap3A_271] {strides = array<i32>} : memref<37632xi32, #tpu.memory_space<vmem>>, vector<16xi32>,
        %swap3A_273 = vector.shape_cast %swap3A_272 : vector<16xi32> to vector<16xi32>
        %swap3A_274 = vector.shape_cast %broadcast_in_dim3A_206 : vector<16xi32> to vector<16xi32>
        tpu.vector_store %arg6[%swap3A_271], %swap3A_274 {strides = array<i32>} : memref<37632xi32, #tpu.memory_space<vmem>>, vector<16xi32>,
      }
      %scan3A_210 = arith.constant 294 : i32
    } else {
    }
    %dma_start3A_122 = tpu.memref_slice %arg3[%select_n3A, %add3A_109] : memref<4x2408448xi32, #tpu.memory_space<hbm>> -> memref<1x37632xi32, #tpu.memory_space<hbm>>
    %dma_start3A_123 = tpu.memref_squeeze %dma_start3A_122 : memref<1x37632xi32, #tpu.memory_space<hbm>> -> memref<37632xi32, #tpu.memory_space<hbm>>
    %dma_start3A_124 = tpu.memref_slice %arg3[%select_n3A, %add3A_109] : memref<4x2408448xi32, #tpu.memory_space<hbm>> -> memref<1x37632xi32, #tpu.memory_space<hbm>>
    %dma_start3A_125 = tpu.memref_squeeze %dma_start3A_124 : memref<1x37632xi32, #tpu.memory_space<hbm>> -> memref<37632xi32, #tpu.memory_space<hbm>>
    tpu.enqueue_dma source(%arg6 : memref<37632xi32, #tpu.memory_space<vmem>>) target(%dma_start3A_125 : memref<37632xi32, #tpu.memory_space<hbm>>) target_semaphore(%arg8 : memref<!tpu.dma_semaphore, #tpu.memory_space<semaphore_mem>>)
    %add3A_126 = arith.constant 150528 : i32
    %add3A_127 = arith.addi %mul3A_66, %add3A_126 : i32
    %dma_wait3A_128 = tpu.memref_slice %arg3[%select_n3A, %add3A_92] : memref<4x2408448xi32, #tpu.memory_space<hbm>> -> memref<1x37632xi32, #tpu.memory_space<hbm>>
    %dma_wait3A_129 = tpu.memref_squeeze %dma_wait3A_128 : memref<1x37632xi32, #tpu.memory_space<hbm>> -> memref<37632xi32, #tpu.memory_space<hbm>>
    %dma_wait3A_130 = tpu.memref_slice %arg3[%select_n3A, %add3A_92] : memref<4x2408448xi32, #tpu.memory_space<hbm>> -> memref<1x37632xi32, #tpu.memory_space<hbm>>
    %dma_wait3A_131 = tpu.memref_squeeze %dma_wait3A_130 : memref<1x37632xi32, #tpu.memory_space<hbm>> -> memref<37632xi32, #tpu.memory_space<hbm>>
    tpu.wait_dma2 semaphore(%arg7 : memref<!tpu.dma_semaphore, #tpu.memory_space<semaphore_mem>>) src(%arg5 : memref<37632xi32, #tpu.memory_space<vmem>>) dst(%dma_wait3A_131 : memref<37632xi32, #tpu.memory_space<hbm>>)
    %lt3A_132 = arith.cmpi slt, %add3A_127, %select_n3A_64 : i32
    %convert_element_type3A_133 = arith.extui %lt3A_132 : i1 to i32
    %cond3A_134 = arith.constant 0 : i32
    %cond3A_135 = arith.cmpi ne, %convert_element_type3A_133, %cond3A_134 : i32
    scf.if %cond3A_135 {
      %add3A_206 = arith.addi %select_n3A_55, %add3A_127 : i32
      %add3A_207 = vector.broadcast %add3A_206 : i32 to vector<16xi32>
      %add3A_208 = arith.addi %add3A_207, %iota3A : vector<16xi32>
      %scan3A = arith.constant 0 : i32
      %scan3A_209 = arith.constant 294 : i32
      %scan3A_210 = arith.addi %scan3A, %scan3A_209 : i32
      %scan3A_211 = arith.constant 1 : i32
      %scan3A_212 = scf.for %scan3A_214 = %scan3A to %scan3A_210 step %scan3A_211 iter_args(%scan3A_215 = %add3A_208) -> (vector<16xi32>)  : i32 {
        %add3A_216 = arith.constant 0 : i32
        %add3A_217 = vector.broadcast %add3A_216 : i32 to vector<16xi32>
        %add3A_218 = arith.addi %scan3A_215, %add3A_217 : vector<16xi32>
        %mul3A_219 = arith.constant 128 : i32
        %mul3A_220 = arith.muli %scan3A_214, %mul3A_219 : i32
        %add3A_221 = arith.constant 0 : i32
        %add3A_222 = arith.addi %mul3A_220, %add3A_221 : i32
        %swap3A = arith.index_cast %add3A_222 : i32 to index
        %swap3A_223 = tpu.vector_load %arg5[%swap3A] {strides = array<i32>} : memref<37632xi32, #tpu.memory_space<vmem>>, vector<16xi32>,
        %swap3A_224 = vector.shape_cast %swap3A_223 : vector<16xi32> to vector<16xi32>
        %swap3A_225 = vector.shape_cast %add3A_218 : vector<16xi32> to vector<16xi32>
        tpu.vector_store %arg5[%swap3A], %swap3A_225 {strides = array<i32>} : memref<37632xi32, #tpu.memory_space<vmem>>, vector<16xi32>,
        %add3A_226 = arith.constant 16 : i32
        %add3A_227 = vector.broadcast %add3A_226 : i32 to vector<16xi32>
        %add3A_228 = arith.addi %scan3A_215, %add3A_227 : vector<16xi32>
        %mul3A_229 = arith.constant 128 : i32
        %mul3A_230 = arith.muli %scan3A_214, %mul3A_229 : i32
        %add3A_231 = arith.constant 16 : i32
        %add3A_232 = arith.addi %mul3A_230, %add3A_231 : i32
        %swap3A_233 = arith.index_cast %add3A_232 : i32 to index
        %swap3A_234 = tpu.vector_load %arg5[%swap3A_233] {strides = array<i32>} : memref<37632xi32, #tpu.memory_space<vmem>>, vector<16xi32>,
        %swap3A_235 = vector.shape_cast %swap3A_234 : vector<16xi32> to vector<16xi32>
        %swap3A_236 = vector.shape_cast %add3A_228 : vector<16xi32> to vector<16xi32>
        tpu.vector_store %arg5[%swap3A_233], %swap3A_236 {strides = array<i32>} : memref<37632xi32, #tpu.memory_space<vmem>>, vector<16xi32>,
        %add3A_237 = arith.constant 32 : i32
        %add3A_238 = vector.broadcast %add3A_237 : i32 to vector<16xi32>
        %add3A_239 = arith.addi %scan3A_215, %add3A_238 : vector<16xi32>
        %mul3A_240 = arith.constant 128 : i32
        %mul3A_241 = arith.muli %scan3A_214, %mul3A_240 : i32
        %add3A_242 = arith.constant 32 : i32
        %add3A_243 = arith.addi %mul3A_241, %add3A_242 : i32
        %swap3A_244 = arith.index_cast %add3A_243 : i32 to index
        %swap3A_245 = tpu.vector_load %arg5[%swap3A_244] {strides = array<i32>} : memref<37632xi32, #tpu.memory_space<vmem>>, vector<16xi32>,
        %swap3A_246 = vector.shape_cast %swap3A_245 : vector<16xi32> to vector<16xi32>
        %swap3A_247 = vector.shape_cast %add3A_239 : vector<16xi32> to vector<16xi32>
        tpu.vector_store %arg5[%swap3A_244], %swap3A_247 {strides = array<i32>} : memref<37632xi32, #tpu.memory_space<vmem>>, vector<16xi32>,
        %add3A_248 = arith.constant 48 : i32
        %add3A_249 = vector.broadcast %add3A_248 : i32 to vector<16xi32>
        %add3A_250 = arith.addi %scan3A_215, %add3A_249 : vector<16xi32>
        %mul3A_251 = arith.constant 128 : i32
        %mul3A_252 = arith.muli %scan3A_214, %mul3A_251 : i32
        %add3A_253 = arith.constant 48 : i32
        %add3A_254 = arith.addi %mul3A_252, %add3A_253 : i32
        %swap3A_255 = arith.index_cast %add3A_254 : i32 to index
        %swap3A_256 = tpu.vector_load %arg5[%swap3A_255] {strides = array<i32>} : memref<37632xi32, #tpu.memory_space<vmem>>, vector<16xi32>,
        %swap3A_257 = vector.shape_cast %swap3A_256 : vector<16xi32> to vector<16xi32>
        %swap3A_258 = vector.shape_cast %add3A_250 : vector<16xi32> to vector<16xi32>
        tpu.vector_store %arg5[%swap3A_255], %swap3A_258 {strides = array<i32>} : memref<37632xi32, #tpu.memory_space<vmem>>, vector<16xi32>,
        %add3A_259 = arith.constant 64 : i32
        %add3A_260 = vector.broadcast %add3A_259 : i32 to vector<16xi32>
        %add3A_261 = arith.addi %scan3A_215, %add3A_260 : vector<16xi32>
        %mul3A_262 = arith.constant 128 : i32
        %mul3A_263 = arith.muli %scan3A_214, %mul3A_262 : i32
        %add3A_264 = arith.constant 64 : i32
        %add3A_265 = arith.addi %mul3A_263, %add3A_264 : i32
        %swap3A_266 = arith.index_cast %add3A_265 : i32 to index
        %swap3A_267 = tpu.vector_load %arg5[%swap3A_266] {strides = array<i32>} : memref<37632xi32, #tpu.memory_space<vmem>>, vector<16xi32>,
        %swap3A_268 = vector.shape_cast %swap3A_267 : vector<16xi32> to vector<16xi32>
        %swap3A_269 = vector.shape_cast %add3A_261 : vector<16xi32> to vector<16xi32>
        tpu.vector_store %arg5[%swap3A_266], %swap3A_269 {strides = array<i32>} : memref<37632xi32, #tpu.memory_space<vmem>>, vector<16xi32>,
        %add3A_270 = arith.constant 80 : i32
        %add3A_271 = vector.broadcast %add3A_270 : i32 to vector<16xi32>
        %add3A_272 = arith.addi %scan3A_215, %add3A_271 : vector<16xi32>
        %mul3A_273 = arith.constant 128 : i32
        %mul3A_274 = arith.muli %scan3A_214, %mul3A_273 : i32
        %add3A_275 = arith.constant 80 : i32
        %add3A_276 = arith.addi %mul3A_274, %add3A_275 : i32
        %swap3A_277 = arith.index_cast %add3A_276 : i32 to index
        %swap3A_278 = tpu.vector_load %arg5[%swap3A_277] {strides = array<i32>} : memref<37632xi32, #tpu.memory_space<vmem>>, vector<16xi32>,
        %swap3A_279 = vector.shape_cast %swap3A_278 : vector<16xi32> to vector<16xi32>
        %swap3A_280 = vector.shape_cast %add3A_272 : vector<16xi32> to vector<16xi32>
        tpu.vector_store %arg5[%swap3A_277], %swap3A_280 {strides = array<i32>} : memref<37632xi32, #tpu.memory_space<vmem>>, vector<16xi32>,
        %add3A_281 = arith.constant 96 : i32
        %add3A_282 = vector.broadcast %add3A_281 : i32 to vector<16xi32>
        %add3A_283 = arith.addi %scan3A_215, %add3A_282 : vector<16xi32>
        %mul3A_284 = arith.constant 128 : i32
        %mul3A_285 = arith.muli %scan3A_214, %mul3A_284 : i32
        %add3A_286 = arith.constant 96 : i32
        %add3A_287 = arith.addi %mul3A_285, %add3A_286 : i32
        %swap3A_288 = arith.index_cast %add3A_287 : i32 to index
        %swap3A_289 = tpu.vector_load %arg5[%swap3A_288] {strides = array<i32>} : memref<37632xi32, #tpu.memory_space<vmem>>, vector<16xi32>,
        %swap3A_290 = vector.shape_cast %swap3A_289 : vector<16xi32> to vector<16xi32>
        %swap3A_291 = vector.shape_cast %add3A_283 : vector<16xi32> to vector<16xi32>
        tpu.vector_store %arg5[%swap3A_288], %swap3A_291 {strides = array<i32>} : memref<37632xi32, #tpu.memory_space<vmem>>, vector<16xi32>,
        %add3A_292 = arith.constant 112 : i32
        %add3A_293 = vector.broadcast %add3A_292 : i32 to vector<16xi32>
        %add3A_294 = arith.addi %scan3A_215, %add3A_293 : vector<16xi32>
        %mul3A_295 = arith.constant 128 : i32
        %mul3A_296 = arith.muli %scan3A_214, %mul3A_295 : i32
        %add3A_297 = arith.constant 112 : i32
        %add3A_298 = arith.addi %mul3A_296, %add3A_297 : i32
        %swap3A_299 = arith.index_cast %add3A_298 : i32 to index
        %swap3A_300 = tpu.vector_load %arg5[%swap3A_299] {strides = array<i32>} : memref<37632xi32, #tpu.memory_space<vmem>>, vector<16xi32>,
        %swap3A_301 = vector.shape_cast %swap3A_300 : vector<16xi32> to vector<16xi32>
        %swap3A_302 = vector.shape_cast %add3A_294 : vector<16xi32> to vector<16xi32>
        tpu.vector_store %arg5[%swap3A_299], %swap3A_302 {strides = array<i32>} : memref<37632xi32, #tpu.memory_space<vmem>>, vector<16xi32>,
        %add3A_303 = arith.constant 128 : i32
        %add3A_304 = vector.broadcast %add3A_303 : i32 to vector<16xi32>
        %add3A_305 = arith.addi %scan3A_215, %add3A_304 : vector<16xi32>
        scf.yield %add3A_305 : vector<16xi32>
      }
      %scan3A_213 = arith.constant 294 : i32
    } else {
    }
    %ge3A_136 = arith.cmpi sge, %add3A_127, %select_n3A_64 : i32
    %convert_element_type3A_137 = arith.extui %ge3A_136 : i1 to i32
    %cond3A_138 = arith.constant 0 : i32
    %cond3A_139 = arith.cmpi ne, %convert_element_type3A_137, %cond3A_138 : i32
    scf.if %cond3A_139 {
      %broadcast_in_dim3A = arith.constant 2408448 : i32
      %broadcast_in_dim3A_206 = vector.broadcast %broadcast_in_dim3A : i32 to vector<16xi32>
      %scan3A = arith.constant 0 : i32
      %scan3A_207 = arith.constant 294 : i32
      %scan3A_208 = arith.addi %scan3A, %scan3A_207 : i32
      %scan3A_209 = arith.constant 1 : i32
      scf.for %scan3A_211 = %scan3A to %scan3A_208 step %scan3A_209  : i32 {
        %mul3A_212 = arith.constant 128 : i32
        %mul3A_213 = arith.muli %scan3A_211, %mul3A_212 : i32
        %add3A_214 = arith.constant 0 : i32
        %add3A_215 = arith.addi %mul3A_213, %add3A_214 : i32
        %swap3A = arith.index_cast %add3A_215 : i32 to index
        %swap3A_216 = tpu.vector_load %arg5[%swap3A] {strides = array<i32>} : memref<37632xi32, #tpu.memory_space<vmem>>, vector<16xi32>,
        %swap3A_217 = vector.shape_cast %swap3A_216 : vector<16xi32> to vector<16xi32>
        %swap3A_218 = vector.shape_cast %broadcast_in_dim3A_206 : vector<16xi32> to vector<16xi32>
        tpu.vector_store %arg5[%swap3A], %swap3A_218 {strides = array<i32>} : memref<37632xi32, #tpu.memory_space<vmem>>, vector<16xi32>,
        %mul3A_219 = arith.constant 128 : i32
        %mul3A_220 = arith.muli %scan3A_211, %mul3A_219 : i32
        %add3A_221 = arith.constant 16 : i32
        %add3A_222 = arith.addi %mul3A_220, %add3A_221 : i32
        %swap3A_223 = arith.index_cast %add3A_222 : i32 to index
        %swap3A_224 = tpu.vector_load %arg5[%swap3A_223] {strides = array<i32>} : memref<37632xi32, #tpu.memory_space<vmem>>, vector<16xi32>,
        %swap3A_225 = vector.shape_cast %swap3A_224 : vector<16xi32> to vector<16xi32>
        %swap3A_226 = vector.shape_cast %broadcast_in_dim3A_206 : vector<16xi32> to vector<16xi32>
        tpu.vector_store %arg5[%swap3A_223], %swap3A_226 {strides = array<i32>} : memref<37632xi32, #tpu.memory_space<vmem>>, vector<16xi32>,
        %mul3A_227 = arith.constant 128 : i32
        %mul3A_228 = arith.muli %scan3A_211, %mul3A_227 : i32
        %add3A_229 = arith.constant 32 : i32
        %add3A_230 = arith.addi %mul3A_228, %add3A_229 : i32
        %swap3A_231 = arith.index_cast %add3A_230 : i32 to index
        %swap3A_232 = tpu.vector_load %arg5[%swap3A_231] {strides = array<i32>} : memref<37632xi32, #tpu.memory_space<vmem>>, vector<16xi32>,
        %swap3A_233 = vector.shape_cast %swap3A_232 : vector<16xi32> to vector<16xi32>
        %swap3A_234 = vector.shape_cast %broadcast_in_dim3A_206 : vector<16xi32> to vector<16xi32>
        tpu.vector_store %arg5[%swap3A_231], %swap3A_234 {strides = array<i32>} : memref<37632xi32, #tpu.memory_space<vmem>>, vector<16xi32>,
        %mul3A_235 = arith.constant 128 : i32
        %mul3A_236 = arith.muli %scan3A_211, %mul3A_235 : i32
        %add3A_237 = arith.constant 48 : i32
        %add3A_238 = arith.addi %mul3A_236, %add3A_237 : i32
        %swap3A_239 = arith.index_cast %add3A_238 : i32 to index
        %swap3A_240 = tpu.vector_load %arg5[%swap3A_239] {strides = array<i32>} : memref<37632xi32, #tpu.memory_space<vmem>>, vector<16xi32>,
        %swap3A_241 = vector.shape_cast %swap3A_240 : vector<16xi32> to vector<16xi32>
        %swap3A_242 = vector.shape_cast %broadcast_in_dim3A_206 : vector<16xi32> to vector<16xi32>
        tpu.vector_store %arg5[%swap3A_239], %swap3A_242 {strides = array<i32>} : memref<37632xi32, #tpu.memory_space<vmem>>, vector<16xi32>,
        %mul3A_243 = arith.constant 128 : i32
        %mul3A_244 = arith.muli %scan3A_211, %mul3A_243 : i32
        %add3A_245 = arith.constant 64 : i32
        %add3A_246 = arith.addi %mul3A_244, %add3A_245 : i32
        %swap3A_247 = arith.index_cast %add3A_246 : i32 to index
        %swap3A_248 = tpu.vector_load %arg5[%swap3A_247] {strides = array<i32>} : memref<37632xi32, #tpu.memory_space<vmem>>, vector<16xi32>,
        %swap3A_249 = vector.shape_cast %swap3A_248 : vector<16xi32> to vector<16xi32>
        %swap3A_250 = vector.shape_cast %broadcast_in_dim3A_206 : vector<16xi32> to vector<16xi32>
        tpu.vector_store %arg5[%swap3A_247], %swap3A_250 {strides = array<i32>} : memref<37632xi32, #tpu.memory_space<vmem>>, vector<16xi32>,
        %mul3A_251 = arith.constant 128 : i32
        %mul3A_252 = arith.muli %scan3A_211, %mul3A_251 : i32
        %add3A_253 = arith.constant 80 : i32
        %add3A_254 = arith.addi %mul3A_252, %add3A_253 : i32
        %swap3A_255 = arith.index_cast %add3A_254 : i32 to index
        %swap3A_256 = tpu.vector_load %arg5[%swap3A_255] {strides = array<i32>} : memref<37632xi32, #tpu.memory_space<vmem>>, vector<16xi32>,
        %swap3A_257 = vector.shape_cast %swap3A_256 : vector<16xi32> to vector<16xi32>
        %swap3A_258 = vector.shape_cast %broadcast_in_dim3A_206 : vector<16xi32> to vector<16xi32>
        tpu.vector_store %arg5[%swap3A_255], %swap3A_258 {strides = array<i32>} : memref<37632xi32, #tpu.memory_space<vmem>>, vector<16xi32>,
        %mul3A_259 = arith.constant 128 : i32
        %mul3A_260 = arith.muli %scan3A_211, %mul3A_259 : i32
        %add3A_261 = arith.constant 96 : i32
        %add3A_262 = arith.addi %mul3A_260, %add3A_261 : i32
        %swap3A_263 = arith.index_cast %add3A_262 : i32 to index
        %swap3A_264 = tpu.vector_load %arg5[%swap3A_263] {strides = array<i32>} : memref<37632xi32, #tpu.memory_space<vmem>>, vector<16xi32>,
        %swap3A_265 = vector.shape_cast %swap3A_264 : vector<16xi32> to vector<16xi32>
        %swap3A_266 = vector.shape_cast %broadcast_in_dim3A_206 : vector<16xi32> to vector<16xi32>
        tpu.vector_store %arg5[%swap3A_263], %swap3A_266 {strides = array<i32>} : memref<37632xi32, #tpu.memory_space<vmem>>, vector<16xi32>,
        %mul3A_267 = arith.constant 128 : i32
        %mul3A_268 = arith.muli %scan3A_211, %mul3A_267 : i32
        %add3A_269 = arith.constant 112 : i32
        %add3A_270 = arith.addi %mul3A_268, %add3A_269 : i32
        %swap3A_271 = arith.index_cast %add3A_270 : i32 to index
        %swap3A_272 = tpu.vector_load %arg5[%swap3A_271] {strides = array<i32>} : memref<37632xi32, #tpu.memory_space<vmem>>, vector<16xi32>,
        %swap3A_273 = vector.shape_cast %swap3A_272 : vector<16xi32> to vector<16xi32>
        %swap3A_274 = vector.shape_cast %broadcast_in_dim3A_206 : vector<16xi32> to vector<16xi32>
        tpu.vector_store %arg5[%swap3A_271], %swap3A_274 {strides = array<i32>} : memref<37632xi32, #tpu.memory_space<vmem>>, vector<16xi32>,
      }
      %scan3A_210 = arith.constant 294 : i32
    } else {
    }
    %dma_start3A_140 = tpu.memref_slice %arg3[%select_n3A, %add3A_127] : memref<4x2408448xi32, #tpu.memory_space<hbm>> -> memref<1x37632xi32, #tpu.memory_space<hbm>>
    %dma_start3A_141 = tpu.memref_squeeze %dma_start3A_140 : memref<1x37632xi32, #tpu.memory_space<hbm>> -> memref<37632xi32, #tpu.memory_space<hbm>>
    %dma_start3A_142 = tpu.memref_slice %arg3[%select_n3A, %add3A_127] : memref<4x2408448xi32, #tpu.memory_space<hbm>> -> memref<1x37632xi32, #tpu.memory_space<hbm>>
    %dma_start3A_143 = tpu.memref_squeeze %dma_start3A_142 : memref<1x37632xi32, #tpu.memory_space<hbm>> -> memref<37632xi32, #tpu.memory_space<hbm>>
    tpu.enqueue_dma source(%arg5 : memref<37632xi32, #tpu.memory_space<vmem>>) target(%dma_start3A_143 : memref<37632xi32, #tpu.memory_space<hbm>>) target_semaphore(%arg7 : memref<!tpu.dma_semaphore, #tpu.memory_space<semaphore_mem>>)
    %add3A_144 = arith.constant 188160 : i32
    %add3A_145 = arith.addi %mul3A_66, %add3A_144 : i32
    %dma_wait3A_146 = tpu.memref_slice %arg3[%select_n3A, %add3A_109] : memref<4x2408448xi32, #tpu.memory_space<hbm>> -> memref<1x37632xi32, #tpu.memory_space<hbm>>
    %dma_wait3A_147 = tpu.memref_squeeze %dma_wait3A_146 : memref<1x37632xi32, #tpu.memory_space<hbm>> -> memref<37632xi32, #tpu.memory_space<hbm>>
    %dma_wait3A_148 = tpu.memref_slice %arg3[%select_n3A, %add3A_109] : memref<4x2408448xi32, #tpu.memory_space<hbm>> -> memref<1x37632xi32, #tpu.memory_space<hbm>>
    %dma_wait3A_149 = tpu.memref_squeeze %dma_wait3A_148 : memref<1x37632xi32, #tpu.memory_space<hbm>> -> memref<37632xi32, #tpu.memory_space<hbm>>
    tpu.wait_dma2 semaphore(%arg8 : memref<!tpu.dma_semaphore, #tpu.memory_space<semaphore_mem>>) src(%arg6 : memref<37632xi32, #tpu.memory_space<vmem>>) dst(%dma_wait3A_149 : memref<37632xi32, #tpu.memory_space<hbm>>)
    %lt3A_150 = arith.cmpi slt, %add3A_145, %select_n3A_64 : i32
    %convert_element_type3A_151 = arith.extui %lt3A_150 : i1 to i32
    %cond3A_152 = arith.constant 0 : i32
    %cond3A_153 = arith.cmpi ne, %convert_element_type3A_151, %cond3A_152 : i32
    scf.if %cond3A_153 {
      %add3A_206 = arith.addi %select_n3A_55, %add3A_145 : i32
      %add3A_207 = vector.broadcast %add3A_206 : i32 to vector<16xi32>
      %add3A_208 = arith.addi %add3A_207, %iota3A : vector<16xi32>
      %scan3A = arith.constant 0 : i32
      %scan3A_209 = arith.constant 294 : i32
      %scan3A_210 = arith.addi %scan3A, %scan3A_209 : i32
      %scan3A_211 = arith.constant 1 : i32
      %scan3A_212 = scf.for %scan3A_214 = %scan3A to %scan3A_210 step %scan3A_211 iter_args(%scan3A_215 = %add3A_208) -> (vector<16xi32>)  : i32 {
        %add3A_216 = arith.constant 0 : i32
        %add3A_217 = vector.broadcast %add3A_216 : i32 to vector<16xi32>
        %add3A_218 = arith.addi %scan3A_215, %add3A_217 : vector<16xi32>
        %mul3A_219 = arith.constant 128 : i32
        %mul3A_220 = arith.muli %scan3A_214, %mul3A_219 : i32
        %add3A_221 = arith.constant 0 : i32
        %add3A_222 = arith.addi %mul3A_220, %add3A_221 : i32
        %swap3A = arith.index_cast %add3A_222 : i32 to index
        %swap3A_223 = tpu.vector_load %arg6[%swap3A] {strides = array<i32>} : memref<37632xi32, #tpu.memory_space<vmem>>, vector<16xi32>,
        %swap3A_224 = vector.shape_cast %swap3A_223 : vector<16xi32> to vector<16xi32>
        %swap3A_225 = vector.shape_cast %add3A_218 : vector<16xi32> to vector<16xi32>
        tpu.vector_store %arg6[%swap3A], %swap3A_225 {strides = array<i32>} : memref<37632xi32, #tpu.memory_space<vmem>>, vector<16xi32>,
        %add3A_226 = arith.constant 16 : i32
        %add3A_227 = vector.broadcast %add3A_226 : i32 to vector<16xi32>
        %add3A_228 = arith.addi %scan3A_215, %add3A_227 : vector<16xi32>
        %mul3A_229 = arith.constant 128 : i32
        %mul3A_230 = arith.muli %scan3A_214, %mul3A_229 : i32
        %add3A_231 = arith.constant 16 : i32
        %add3A_232 = arith.addi %mul3A_230, %add3A_231 : i32
        %swap3A_233 = arith.index_cast %add3A_232 : i32 to index
        %swap3A_234 = tpu.vector_load %arg6[%swap3A_233] {strides = array<i32>} : memref<37632xi32, #tpu.memory_space<vmem>>, vector<16xi32>,
        %swap3A_235 = vector.shape_cast %swap3A_234 : vector<16xi32> to vector<16xi32>
        %swap3A_236 = vector.shape_cast %add3A_228 : vector<16xi32> to vector<16xi32>
        tpu.vector_store %arg6[%swap3A_233], %swap3A_236 {strides = array<i32>} : memref<37632xi32, #tpu.memory_space<vmem>>, vector<16xi32>,
        %add3A_237 = arith.constant 32 : i32
        %add3A_238 = vector.broadcast %add3A_237 : i32 to vector<16xi32>
        %add3A_239 = arith.addi %scan3A_215, %add3A_238 : vector<16xi32>
        %mul3A_240 = arith.constant 128 : i32
        %mul3A_241 = arith.muli %scan3A_214, %mul3A_240 : i32
        %add3A_242 = arith.constant 32 : i32
        %add3A_243 = arith.addi %mul3A_241, %add3A_242 : i32
        %swap3A_244 = arith.index_cast %add3A_243 : i32 to index
        %swap3A_245 = tpu.vector_load %arg6[%swap3A_244] {strides = array<i32>} : memref<37632xi32, #tpu.memory_space<vmem>>, vector<16xi32>,
        %swap3A_246 = vector.shape_cast %swap3A_245 : vector<16xi32> to vector<16xi32>
        %swap3A_247 = vector.shape_cast %add3A_239 : vector<16xi32> to vector<16xi32>
        tpu.vector_store %arg6[%swap3A_244], %swap3A_247 {strides = array<i32>} : memref<37632xi32, #tpu.memory_space<vmem>>, vector<16xi32>,
        %add3A_248 = arith.constant 48 : i32
        %add3A_249 = vector.broadcast %add3A_248 : i32 to vector<16xi32>
        %add3A_250 = arith.addi %scan3A_215, %add3A_249 : vector<16xi32>
        %mul3A_251 = arith.constant 128 : i32
        %mul3A_252 = arith.muli %scan3A_214, %mul3A_251 : i32
        %add3A_253 = arith.constant 48 : i32
        %add3A_254 = arith.addi %mul3A_252, %add3A_253 : i32
        %swap3A_255 = arith.index_cast %add3A_254 : i32 to index
        %swap3A_256 = tpu.vector_load %arg6[%swap3A_255] {strides = array<i32>} : memref<37632xi32, #tpu.memory_space<vmem>>, vector<16xi32>,
        %swap3A_257 = vector.shape_cast %swap3A_256 : vector<16xi32> to vector<16xi32>
        %swap3A_258 = vector.shape_cast %add3A_250 : vector<16xi32> to vector<16xi32>
        tpu.vector_store %arg6[%swap3A_255], %swap3A_258 {strides = array<i32>} : memref<37632xi32, #tpu.memory_space<vmem>>, vector<16xi32>,
        %add3A_259 = arith.constant 64 : i32
        %add3A_260 = vector.broadcast %add3A_259 : i32 to vector<16xi32>
        %add3A_261 = arith.addi %scan3A_215, %add3A_260 : vector<16xi32>
        %mul3A_262 = arith.constant 128 : i32
        %mul3A_263 = arith.muli %scan3A_214, %mul3A_262 : i32
        %add3A_264 = arith.constant 64 : i32
        %add3A_265 = arith.addi %mul3A_263, %add3A_264 : i32
        %swap3A_266 = arith.index_cast %add3A_265 : i32 to index
        %swap3A_267 = tpu.vector_load %arg6[%swap3A_266] {strides = array<i32>} : memref<37632xi32, #tpu.memory_space<vmem>>, vector<16xi32>,
        %swap3A_268 = vector.shape_cast %swap3A_267 : vector<16xi32> to vector<16xi32>
        %swap3A_269 = vector.shape_cast %add3A_261 : vector<16xi32> to vector<16xi32>
        tpu.vector_store %arg6[%swap3A_266], %swap3A_269 {strides = array<i32>} : memref<37632xi32, #tpu.memory_space<vmem>>, vector<16xi32>,
        %add3A_270 = arith.constant 80 : i32
        %add3A_271 = vector.broadcast %add3A_270 : i32 to vector<16xi32>
        %add3A_272 = arith.addi %scan3A_215, %add3A_271 : vector<16xi32>
        %mul3A_273 = arith.constant 128 : i32
        %mul3A_274 = arith.muli %scan3A_214, %mul3A_273 : i32
        %add3A_275 = arith.constant 80 : i32
        %add3A_276 = arith.addi %mul3A_274, %add3A_275 : i32
        %swap3A_277 = arith.index_cast %add3A_276 : i32 to index
        %swap3A_278 = tpu.vector_load %arg6[%swap3A_277] {strides = array<i32>} : memref<37632xi32, #tpu.memory_space<vmem>>, vector<16xi32>,
        %swap3A_279 = vector.shape_cast %swap3A_278 : vector<16xi32> to vector<16xi32>
        %swap3A_280 = vector.shape_cast %add3A_272 : vector<16xi32> to vector<16xi32>
        tpu.vector_store %arg6[%swap3A_277], %swap3A_280 {strides = array<i32>} : memref<37632xi32, #tpu.memory_space<vmem>>, vector<16xi32>,
        %add3A_281 = arith.constant 96 : i32
        %add3A_282 = vector.broadcast %add3A_281 : i32 to vector<16xi32>
        %add3A_283 = arith.addi %scan3A_215, %add3A_282 : vector<16xi32>
        %mul3A_284 = arith.constant 128 : i32
        %mul3A_285 = arith.muli %scan3A_214, %mul3A_284 : i32
        %add3A_286 = arith.constant 96 : i32
        %add3A_287 = arith.addi %mul3A_285, %add3A_286 : i32
        %swap3A_288 = arith.index_cast %add3A_287 : i32 to index
        %swap3A_289 = tpu.vector_load %arg6[%swap3A_288] {strides = array<i32>} : memref<37632xi32, #tpu.memory_space<vmem>>, vector<16xi32>,
        %swap3A_290 = vector.shape_cast %swap3A_289 : vector<16xi32> to vector<16xi32>
        %swap3A_291 = vector.shape_cast %add3A_283 : vector<16xi32> to vector<16xi32>
        tpu.vector_store %arg6[%swap3A_288], %swap3A_291 {strides = array<i32>} : memref<37632xi32, #tpu.memory_space<vmem>>, vector<16xi32>,
        %add3A_292 = arith.constant 112 : i32
        %add3A_293 = vector.broadcast %add3A_292 : i32 to vector<16xi32>
        %add3A_294 = arith.addi %scan3A_215, %add3A_293 : vector<16xi32>
        %mul3A_295 = arith.constant 128 : i32
        %mul3A_296 = arith.muli %scan3A_214, %mul3A_295 : i32
        %add3A_297 = arith.constant 112 : i32
        %add3A_298 = arith.addi %mul3A_296, %add3A_297 : i32
        %swap3A_299 = arith.index_cast %add3A_298 : i32 to index
        %swap3A_300 = tpu.vector_load %arg6[%swap3A_299] {strides = array<i32>} : memref<37632xi32, #tpu.memory_space<vmem>>, vector<16xi32>,
        %swap3A_301 = vector.shape_cast %swap3A_300 : vector<16xi32> to vector<16xi32>
        %swap3A_302 = vector.shape_cast %add3A_294 : vector<16xi32> to vector<16xi32>
        tpu.vector_store %arg6[%swap3A_299], %swap3A_302 {strides = array<i32>} : memref<37632xi32, #tpu.memory_space<vmem>>, vector<16xi32>,
        %add3A_303 = arith.constant 128 : i32
        %add3A_304 = vector.broadcast %add3A_303 : i32 to vector<16xi32>
        %add3A_305 = arith.addi %scan3A_215, %add3A_304 : vector<16xi32>
        scf.yield %add3A_305 : vector<16xi32>
      }
      %scan3A_213 = arith.constant 294 : i32
    } else {
    }
    %ge3A_154 = arith.cmpi sge, %add3A_145, %select_n3A_64 : i32
    %convert_element_type3A_155 = arith.extui %ge3A_154 : i1 to i32
    %cond3A_156 = arith.constant 0 : i32
    %cond3A_157 = arith.cmpi ne, %convert_element_type3A_155, %cond3A_156 : i32
    scf.if %cond3A_157 {
      %broadcast_in_dim3A = arith.constant 2408448 : i32
      %broadcast_in_dim3A_206 = vector.broadcast %broadcast_in_dim3A : i32 to vector<16xi32>
      %scan3A = arith.constant 0 : i32
      %scan3A_207 = arith.constant 294 : i32
      %scan3A_208 = arith.addi %scan3A, %scan3A_207 : i32
      %scan3A_209 = arith.constant 1 : i32
      scf.for %scan3A_211 = %scan3A to %scan3A_208 step %scan3A_209  : i32 {
        %mul3A_212 = arith.constant 128 : i32
        %mul3A_213 = arith.muli %scan3A_211, %mul3A_212 : i32
        %add3A_214 = arith.constant 0 : i32
        %add3A_215 = arith.addi %mul3A_213, %add3A_214 : i32
        %swap3A = arith.index_cast %add3A_215 : i32 to index
        %swap3A_216 = tpu.vector_load %arg6[%swap3A] {strides = array<i32>} : memref<37632xi32, #tpu.memory_space<vmem>>, vector<16xi32>,
        %swap3A_217 = vector.shape_cast %swap3A_216 : vector<16xi32> to vector<16xi32>
        %swap3A_218 = vector.shape_cast %broadcast_in_dim3A_206 : vector<16xi32> to vector<16xi32>
        tpu.vector_store %arg6[%swap3A], %swap3A_218 {strides = array<i32>} : memref<37632xi32, #tpu.memory_space<vmem>>, vector<16xi32>,
        %mul3A_219 = arith.constant 128 : i32
        %mul3A_220 = arith.muli %scan3A_211, %mul3A_219 : i32
        %add3A_221 = arith.constant 16 : i32
        %add3A_222 = arith.addi %mul3A_220, %add3A_221 : i32
        %swap3A_223 = arith.index_cast %add3A_222 : i32 to index
        %swap3A_224 = tpu.vector_load %arg6[%swap3A_223] {strides = array<i32>} : memref<37632xi32, #tpu.memory_space<vmem>>, vector<16xi32>,
        %swap3A_225 = vector.shape_cast %swap3A_224 : vector<16xi32> to vector<16xi32>
        %swap3A_226 = vector.shape_cast %broadcast_in_dim3A_206 : vector<16xi32> to vector<16xi32>
        tpu.vector_store %arg6[%swap3A_223], %swap3A_226 {strides = array<i32>} : memref<37632xi32, #tpu.memory_space<vmem>>, vector<16xi32>,
        %mul3A_227 = arith.constant 128 : i32
        %mul3A_228 = arith.muli %scan3A_211, %mul3A_227 : i32
        %add3A_229 = arith.constant 32 : i32
        %add3A_230 = arith.addi %mul3A_228, %add3A_229 : i32
        %swap3A_231 = arith.index_cast %add3A_230 : i32 to index
        %swap3A_232 = tpu.vector_load %arg6[%swap3A_231] {strides = array<i32>} : memref<37632xi32, #tpu.memory_space<vmem>>, vector<16xi32>,
        %swap3A_233 = vector.shape_cast %swap3A_232 : vector<16xi32> to vector<16xi32>
        %swap3A_234 = vector.shape_cast %broadcast_in_dim3A_206 : vector<16xi32> to vector<16xi32>
        tpu.vector_store %arg6[%swap3A_231], %swap3A_234 {strides = array<i32>} : memref<37632xi32, #tpu.memory_space<vmem>>, vector<16xi32>,
        %mul3A_235 = arith.constant 128 : i32
        %mul3A_236 = arith.muli %scan3A_211, %mul3A_235 : i32
        %add3A_237 = arith.constant 48 : i32
        %add3A_238 = arith.addi %mul3A_236, %add3A_237 : i32
        %swap3A_239 = arith.index_cast %add3A_238 : i32 to index
        %swap3A_240 = tpu.vector_load %arg6[%swap3A_239] {strides = array<i32>} : memref<37632xi32, #tpu.memory_space<vmem>>, vector<16xi32>,
        %swap3A_241 = vector.shape_cast %swap3A_240 : vector<16xi32> to vector<16xi32>
        %swap3A_242 = vector.shape_cast %broadcast_in_dim3A_206 : vector<16xi32> to vector<16xi32>
        tpu.vector_store %arg6[%swap3A_239], %swap3A_242 {strides = array<i32>} : memref<37632xi32, #tpu.memory_space<vmem>>, vector<16xi32>,
        %mul3A_243 = arith.constant 128 : i32
        %mul3A_244 = arith.muli %scan3A_211, %mul3A_243 : i32
        %add3A_245 = arith.constant 64 : i32
        %add3A_246 = arith.addi %mul3A_244, %add3A_245 : i32
        %swap3A_247 = arith.index_cast %add3A_246 : i32 to index
        %swap3A_248 = tpu.vector_load %arg6[%swap3A_247] {strides = array<i32>} : memref<37632xi32, #tpu.memory_space<vmem>>, vector<16xi32>,
        %swap3A_249 = vector.shape_cast %swap3A_248 : vector<16xi32> to vector<16xi32>
        %swap3A_250 = vector.shape_cast %broadcast_in_dim3A_206 : vector<16xi32> to vector<16xi32>
        tpu.vector_store %arg6[%swap3A_247], %swap3A_250 {strides = array<i32>} : memref<37632xi32, #tpu.memory_space<vmem>>, vector<16xi32>,
        %mul3A_251 = arith.constant 128 : i32
        %mul3A_252 = arith.muli %scan3A_211, %mul3A_251 : i32
        %add3A_253 = arith.constant 80 : i32
        %add3A_254 = arith.addi %mul3A_252, %add3A_253 : i32
        %swap3A_255 = arith.index_cast %add3A_254 : i32 to index
        %swap3A_256 = tpu.vector_load %arg6[%swap3A_255] {strides = array<i32>} : memref<37632xi32, #tpu.memory_space<vmem>>, vector<16xi32>,
        %swap3A_257 = vector.shape_cast %swap3A_256 : vector<16xi32> to vector<16xi32>
        %swap3A_258 = vector.shape_cast %broadcast_in_dim3A_206 : vector<16xi32> to vector<16xi32>
        tpu.vector_store %arg6[%swap3A_255], %swap3A_258 {strides = array<i32>} : memref<37632xi32, #tpu.memory_space<vmem>>, vector<16xi32>,
        %mul3A_259 = arith.constant 128 : i32
        %mul3A_260 = arith.muli %scan3A_211, %mul3A_259 : i32
        %add3A_261 = arith.constant 96 : i32
        %add3A_262 = arith.addi %mul3A_260, %add3A_261 : i32
        %swap3A_263 = arith.index_cast %add3A_262 : i32 to index
        %swap3A_264 = tpu.vector_load %arg6[%swap3A_263] {strides = array<i32>} : memref<37632xi32, #tpu.memory_space<vmem>>, vector<16xi32>,
        %swap3A_265 = vector.shape_cast %swap3A_264 : vector<16xi32> to vector<16xi32>
        %swap3A_266 = vector.shape_cast %broadcast_in_dim3A_206 : vector<16xi32> to vector<16xi32>
        tpu.vector_store %arg6[%swap3A_263], %swap3A_266 {strides = array<i32>} : memref<37632xi32, #tpu.memory_space<vmem>>, vector<16xi32>,
        %mul3A_267 = arith.constant 128 : i32
        %mul3A_268 = arith.muli %scan3A_211, %mul3A_267 : i32
        %add3A_269 = arith.constant 112 : i32
        %add3A_270 = arith.addi %mul3A_268, %add3A_269 : i32
        %swap3A_271 = arith.index_cast %add3A_270 : i32 to index
        %swap3A_272 = tpu.vector_load %arg6[%swap3A_271] {strides = array<i32>} : memref<37632xi32, #tpu.memory_space<vmem>>, vector<16xi32>,
        %swap3A_273 = vector.shape_cast %swap3A_272 : vector<16xi32> to vector<16xi32>
        %swap3A_274 = vector.shape_cast %broadcast_in_dim3A_206 : vector<16xi32> to vector<16xi32>
        tpu.vector_store %arg6[%swap3A_271], %swap3A_274 {strides = array<i32>} : memref<37632xi32, #tpu.memory_space<vmem>>, vector<16xi32>,
      }
      %scan3A_210 = arith.constant 294 : i32
    } else {
    }
    %dma_start3A_158 = tpu.memref_slice %arg3[%select_n3A, %add3A_145] : memref<4x2408448xi32, #tpu.memory_space<hbm>> -> memref<1x37632xi32, #tpu.memory_space<hbm>>
    %dma_start3A_159 = tpu.memref_squeeze %dma_start3A_158 : memref<1x37632xi32, #tpu.memory_space<hbm>> -> memref<37632xi32, #tpu.memory_space<hbm>>
    %dma_start3A_160 = tpu.memref_slice %arg3[%select_n3A, %add3A_145] : memref<4x2408448xi32, #tpu.memory_space<hbm>> -> memref<1x37632xi32, #tpu.memory_space<hbm>>
    %dma_start3A_161 = tpu.memref_squeeze %dma_start3A_160 : memref<1x37632xi32, #tpu.memory_space<hbm>> -> memref<37632xi32, #tpu.memory_space<hbm>>
    tpu.enqueue_dma source(%arg6 : memref<37632xi32, #tpu.memory_space<vmem>>) target(%dma_start3A_161 : memref<37632xi32, #tpu.memory_space<hbm>>) target_semaphore(%arg8 : memref<!tpu.dma_semaphore, #tpu.memory_space<semaphore_mem>>)
    %add3A_162 = arith.constant 225792 : i32
    %add3A_163 = arith.addi %mul3A_66, %add3A_162 : i32
    %dma_wait3A_164 = tpu.memref_slice %arg3[%select_n3A, %add3A_127] : memref<4x2408448xi32, #tpu.memory_space<hbm>> -> memref<1x37632xi32, #tpu.memory_space<hbm>>
    %dma_wait3A_165 = tpu.memref_squeeze %dma_wait3A_164 : memref<1x37632xi32, #tpu.memory_space<hbm>> -> memref<37632xi32, #tpu.memory_space<hbm>>
    %dma_wait3A_166 = tpu.memref_slice %arg3[%select_n3A, %add3A_127] : memref<4x2408448xi32, #tpu.memory_space<hbm>> -> memref<1x37632xi32, #tpu.memory_space<hbm>>
    %dma_wait3A_167 = tpu.memref_squeeze %dma_wait3A_166 : memref<1x37632xi32, #tpu.memory_space<hbm>> -> memref<37632xi32, #tpu.memory_space<hbm>>
    tpu.wait_dma2 semaphore(%arg7 : memref<!tpu.dma_semaphore, #tpu.memory_space<semaphore_mem>>) src(%arg5 : memref<37632xi32, #tpu.memory_space<vmem>>) dst(%dma_wait3A_167 : memref<37632xi32, #tpu.memory_space<hbm>>)
    %lt3A_168 = arith.cmpi slt, %add3A_163, %select_n3A_64 : i32
    %convert_element_type3A_169 = arith.extui %lt3A_168 : i1 to i32
    %cond3A_170 = arith.constant 0 : i32
    %cond3A_171 = arith.cmpi ne, %convert_element_type3A_169, %cond3A_170 : i32
    scf.if %cond3A_171 {
      %add3A_206 = arith.addi %select_n3A_55, %add3A_163 : i32
      %add3A_207 = vector.broadcast %add3A_206 : i32 to vector<16xi32>
      %add3A_208 = arith.addi %add3A_207, %iota3A : vector<16xi32>
      %scan3A = arith.constant 0 : i32
      %scan3A_209 = arith.constant 294 : i32
      %scan3A_210 = arith.addi %scan3A, %scan3A_209 : i32
      %scan3A_211 = arith.constant 1 : i32
      %scan3A_212 = scf.for %scan3A_214 = %scan3A to %scan3A_210 step %scan3A_211 iter_args(%scan3A_215 = %add3A_208) -> (vector<16xi32>)  : i32 {
        %add3A_216 = arith.constant 0 : i32
        %add3A_217 = vector.broadcast %add3A_216 : i32 to vector<16xi32>
        %add3A_218 = arith.addi %scan3A_215, %add3A_217 : vector<16xi32>
        %mul3A_219 = arith.constant 128 : i32
        %mul3A_220 = arith.muli %scan3A_214, %mul3A_219 : i32
        %add3A_221 = arith.constant 0 : i32
        %add3A_222 = arith.addi %mul3A_220, %add3A_221 : i32
        %swap3A = arith.index_cast %add3A_222 : i32 to index
        %swap3A_223 = tpu.vector_load %arg5[%swap3A] {strides = array<i32>} : memref<37632xi32, #tpu.memory_space<vmem>>, vector<16xi32>,
        %swap3A_224 = vector.shape_cast %swap3A_223 : vector<16xi32> to vector<16xi32>
        %swap3A_225 = vector.shape_cast %add3A_218 : vector<16xi32> to vector<16xi32>
        tpu.vector_store %arg5[%swap3A], %swap3A_225 {strides = array<i32>} : memref<37632xi32, #tpu.memory_space<vmem>>, vector<16xi32>,
        %add3A_226 = arith.constant 16 : i32
        %add3A_227 = vector.broadcast %add3A_226 : i32 to vector<16xi32>
        %add3A_228 = arith.addi %scan3A_215, %add3A_227 : vector<16xi32>
        %mul3A_229 = arith.constant 128 : i32
        %mul3A_230 = arith.muli %scan3A_214, %mul3A_229 : i32
        %add3A_231 = arith.constant 16 : i32
        %add3A_232 = arith.addi %mul3A_230, %add3A_231 : i32
        %swap3A_233 = arith.index_cast %add3A_232 : i32 to index
        %swap3A_234 = tpu.vector_load %arg5[%swap3A_233] {strides = array<i32>} : memref<37632xi32, #tpu.memory_space<vmem>>, vector<16xi32>,
        %swap3A_235 = vector.shape_cast %swap3A_234 : vector<16xi32> to vector<16xi32>
        %swap3A_236 = vector.shape_cast %add3A_228 : vector<16xi32> to vector<16xi32>
        tpu.vector_store %arg5[%swap3A_233], %swap3A_236 {strides = array<i32>} : memref<37632xi32, #tpu.memory_space<vmem>>, vector<16xi32>,
        %add3A_237 = arith.constant 32 : i32
        %add3A_238 = vector.broadcast %add3A_237 : i32 to vector<16xi32>
        %add3A_239 = arith.addi %scan3A_215, %add3A_238 : vector<16xi32>
        %mul3A_240 = arith.constant 128 : i32
        %mul3A_241 = arith.muli %scan3A_214, %mul3A_240 : i32
        %add3A_242 = arith.constant 32 : i32
        %add3A_243 = arith.addi %mul3A_241, %add3A_242 : i32
        %swap3A_244 = arith.index_cast %add3A_243 : i32 to index
        %swap3A_245 = tpu.vector_load %arg5[%swap3A_244] {strides = array<i32>} : memref<37632xi32, #tpu.memory_space<vmem>>, vector<16xi32>,
        %swap3A_246 = vector.shape_cast %swap3A_245 : vector<16xi32> to vector<16xi32>
        %swap3A_247 = vector.shape_cast %add3A_239 : vector<16xi32> to vector<16xi32>
        tpu.vector_store %arg5[%swap3A_244], %swap3A_247 {strides = array<i32>} : memref<37632xi32, #tpu.memory_space<vmem>>, vector<16xi32>,
        %add3A_248 = arith.constant 48 : i32
        %add3A_249 = vector.broadcast %add3A_248 : i32 to vector<16xi32>
        %add3A_250 = arith.addi %scan3A_215, %add3A_249 : vector<16xi32>
        %mul3A_251 = arith.constant 128 : i32
        %mul3A_252 = arith.muli %scan3A_214, %mul3A_251 : i32
        %add3A_253 = arith.constant 48 : i32
        %add3A_254 = arith.addi %mul3A_252, %add3A_253 : i32
        %swap3A_255 = arith.index_cast %add3A_254 : i32 to index
        %swap3A_256 = tpu.vector_load %arg5[%swap3A_255] {strides = array<i32>} : memref<37632xi32, #tpu.memory_space<vmem>>, vector<16xi32>,
        %swap3A_257 = vector.shape_cast %swap3A_256 : vector<16xi32> to vector<16xi32>
        %swap3A_258 = vector.shape_cast %add3A_250 : vector<16xi32> to vector<16xi32>
        tpu.vector_store %arg5[%swap3A_255], %swap3A_258 {strides = array<i32>} : memref<37632xi32, #tpu.memory_space<vmem>>, vector<16xi32>,
        %add3A_259 = arith.constant 64 : i32
        %add3A_260 = vector.broadcast %add3A_259 : i32 to vector<16xi32>
        %add3A_261 = arith.addi %scan3A_215, %add3A_260 : vector<16xi32>
        %mul3A_262 = arith.constant 128 : i32
        %mul3A_263 = arith.muli %scan3A_214, %mul3A_262 : i32
        %add3A_264 = arith.constant 64 : i32
        %add3A_265 = arith.addi %mul3A_263, %add3A_264 : i32
        %swap3A_266 = arith.index_cast %add3A_265 : i32 to index
        %swap3A_267 = tpu.vector_load %arg5[%swap3A_266] {strides = array<i32>} : memref<37632xi32, #tpu.memory_space<vmem>>, vector<16xi32>,
        %swap3A_268 = vector.shape_cast %swap3A_267 : vector<16xi32> to vector<16xi32>
        %swap3A_269 = vector.shape_cast %add3A_261 : vector<16xi32> to vector<16xi32>
        tpu.vector_store %arg5[%swap3A_266], %swap3A_269 {strides = array<i32>} : memref<37632xi32, #tpu.memory_space<vmem>>, vector<16xi32>,
        %add3A_270 = arith.constant 80 : i32
        %add3A_271 = vector.broadcast %add3A_270 : i32 to vector<16xi32>
        %add3A_272 = arith.addi %scan3A_215, %add3A_271 : vector<16xi32>
        %mul3A_273 = arith.constant 128 : i32
        %mul3A_274 = arith.muli %scan3A_214, %mul3A_273 : i32
        %add3A_275 = arith.constant 80 : i32
        %add3A_276 = arith.addi %mul3A_274, %add3A_275 : i32
        %swap3A_277 = arith.index_cast %add3A_276 : i32 to index
        %swap3A_278 = tpu.vector_load %arg5[%swap3A_277] {strides = array<i32>} : memref<37632xi32, #tpu.memory_space<vmem>>, vector<16xi32>,
        %swap3A_279 = vector.shape_cast %swap3A_278 : vector<16xi32> to vector<16xi32>
        %swap3A_280 = vector.shape_cast %add3A_272 : vector<16xi32> to vector<16xi32>
        tpu.vector_store %arg5[%swap3A_277], %swap3A_280 {strides = array<i32>} : memref<37632xi32, #tpu.memory_space<vmem>>, vector<16xi32>,
        %add3A_281 = arith.constant 96 : i32
        %add3A_282 = vector.broadcast %add3A_281 : i32 to vector<16xi32>
        %add3A_283 = arith.addi %scan3A_215, %add3A_282 : vector<16xi32>
        %mul3A_284 = arith.constant 128 : i32
        %mul3A_285 = arith.muli %scan3A_214, %mul3A_284 : i32
        %add3A_286 = arith.constant 96 : i32
        %add3A_287 = arith.addi %mul3A_285, %add3A_286 : i32
        %swap3A_288 = arith.index_cast %add3A_287 : i32 to index
        %swap3A_289 = tpu.vector_load %arg5[%swap3A_288] {strides = array<i32>} : memref<37632xi32, #tpu.memory_space<vmem>>, vector<16xi32>,
        %swap3A_290 = vector.shape_cast %swap3A_289 : vector<16xi32> to vector<16xi32>
        %swap3A_291 = vector.shape_cast %add3A_283 : vector<16xi32> to vector<16xi32>
        tpu.vector_store %arg5[%swap3A_288], %swap3A_291 {strides = array<i32>} : memref<37632xi32, #tpu.memory_space<vmem>>, vector<16xi32>,
        %add3A_292 = arith.constant 112 : i32
        %add3A_293 = vector.broadcast %add3A_292 : i32 to vector<16xi32>
        %add3A_294 = arith.addi %scan3A_215, %add3A_293 : vector<16xi32>
        %mul3A_295 = arith.constant 128 : i32
        %mul3A_296 = arith.muli %scan3A_214, %mul3A_295 : i32
        %add3A_297 = arith.constant 112 : i32
        %add3A_298 = arith.addi %mul3A_296, %add3A_297 : i32
        %swap3A_299 = arith.index_cast %add3A_298 : i32 to index
        %swap3A_300 = tpu.vector_load %arg5[%swap3A_299] {strides = array<i32>} : memref<37632xi32, #tpu.memory_space<vmem>>, vector<16xi32>,
        %swap3A_301 = vector.shape_cast %swap3A_300 : vector<16xi32> to vector<16xi32>
        %swap3A_302 = vector.shape_cast %add3A_294 : vector<16xi32> to vector<16xi32>
        tpu.vector_store %arg5[%swap3A_299], %swap3A_302 {strides = array<i32>} : memref<37632xi32, #tpu.memory_space<vmem>>, vector<16xi32>,
        %add3A_303 = arith.constant 128 : i32
        %add3A_304 = vector.broadcast %add3A_303 : i32 to vector<16xi32>
        %add3A_305 = arith.addi %scan3A_215, %add3A_304 : vector<16xi32>
        scf.yield %add3A_305 : vector<16xi32>
      }
      %scan3A_213 = arith.constant 294 : i32
    } else {
    }
    %ge3A_172 = arith.cmpi sge, %add3A_163, %select_n3A_64 : i32
    %convert_element_type3A_173 = arith.extui %ge3A_172 : i1 to i32
    %cond3A_174 = arith.constant 0 : i32
    %cond3A_175 = arith.cmpi ne, %convert_element_type3A_173, %cond3A_174 : i32
    scf.if %cond3A_175 {
      %broadcast_in_dim3A = arith.constant 2408448 : i32
      %broadcast_in_dim3A_206 = vector.broadcast %broadcast_in_dim3A : i32 to vector<16xi32>
      %scan3A = arith.constant 0 : i32
      %scan3A_207 = arith.constant 294 : i32
      %scan3A_208 = arith.addi %scan3A, %scan3A_207 : i32
      %scan3A_209 = arith.constant 1 : i32
      scf.for %scan3A_211 = %scan3A to %scan3A_208 step %scan3A_209  : i32 {
        %mul3A_212 = arith.constant 128 : i32
        %mul3A_213 = arith.muli %scan3A_211, %mul3A_212 : i32
        %add3A_214 = arith.constant 0 : i32
        %add3A_215 = arith.addi %mul3A_213, %add3A_214 : i32
        %swap3A = arith.index_cast %add3A_215 : i32 to index
        %swap3A_216 = tpu.vector_load %arg5[%swap3A] {strides = array<i32>} : memref<37632xi32, #tpu.memory_space<vmem>>, vector<16xi32>,
        %swap3A_217 = vector.shape_cast %swap3A_216 : vector<16xi32> to vector<16xi32>
        %swap3A_218 = vector.shape_cast %broadcast_in_dim3A_206 : vector<16xi32> to vector<16xi32>
        tpu.vector_store %arg5[%swap3A], %swap3A_218 {strides = array<i32>} : memref<37632xi32, #tpu.memory_space<vmem>>, vector<16xi32>,
        %mul3A_219 = arith.constant 128 : i32
        %mul3A_220 = arith.muli %scan3A_211, %mul3A_219 : i32
        %add3A_221 = arith.constant 16 : i32
        %add3A_222 = arith.addi %mul3A_220, %add3A_221 : i32
        %swap3A_223 = arith.index_cast %add3A_222 : i32 to index
        %swap3A_224 = tpu.vector_load %arg5[%swap3A_223] {strides = array<i32>} : memref<37632xi32, #tpu.memory_space<vmem>>, vector<16xi32>,
        %swap3A_225 = vector.shape_cast %swap3A_224 : vector<16xi32> to vector<16xi32>
        %swap3A_226 = vector.shape_cast %broadcast_in_dim3A_206 : vector<16xi32> to vector<16xi32>
        tpu.vector_store %arg5[%swap3A_223], %swap3A_226 {strides = array<i32>} : memref<37632xi32, #tpu.memory_space<vmem>>, vector<16xi32>,
        %mul3A_227 = arith.constant 128 : i32
        %mul3A_228 = arith.muli %scan3A_211, %mul3A_227 : i32
        %add3A_229 = arith.constant 32 : i32
        %add3A_230 = arith.addi %mul3A_228, %add3A_229 : i32
        %swap3A_231 = arith.index_cast %add3A_230 : i32 to index
        %swap3A_232 = tpu.vector_load %arg5[%swap3A_231] {strides = array<i32>} : memref<37632xi32, #tpu.memory_space<vmem>>, vector<16xi32>,
        %swap3A_233 = vector.shape_cast %swap3A_232 : vector<16xi32> to vector<16xi32>
        %swap3A_234 = vector.shape_cast %broadcast_in_dim3A_206 : vector<16xi32> to vector<16xi32>
        tpu.vector_store %arg5[%swap3A_231], %swap3A_234 {strides = array<i32>} : memref<37632xi32, #tpu.memory_space<vmem>>, vector<16xi32>,
        %mul3A_235 = arith.constant 128 : i32
        %mul3A_236 = arith.muli %scan3A_211, %mul3A_235 : i32
        %add3A_237 = arith.constant 48 : i32
        %add3A_238 = arith.addi %mul3A_236, %add3A_237 : i32
        %swap3A_239 = arith.index_cast %add3A_238 : i32 to index
        %swap3A_240 = tpu.vector_load %arg5[%swap3A_239] {strides = array<i32>} : memref<37632xi32, #tpu.memory_space<vmem>>, vector<16xi32>,
        %swap3A_241 = vector.shape_cast %swap3A_240 : vector<16xi32> to vector<16xi32>
        %swap3A_242 = vector.shape_cast %broadcast_in_dim3A_206 : vector<16xi32> to vector<16xi32>
        tpu.vector_store %arg5[%swap3A_239], %swap3A_242 {strides = array<i32>} : memref<37632xi32, #tpu.memory_space<vmem>>, vector<16xi32>,
        %mul3A_243 = arith.constant 128 : i32
        %mul3A_244 = arith.muli %scan3A_211, %mul3A_243 : i32
        %add3A_245 = arith.constant 64 : i32
        %add3A_246 = arith.addi %mul3A_244, %add3A_245 : i32
        %swap3A_247 = arith.index_cast %add3A_246 : i32 to index
        %swap3A_248 = tpu.vector_load %arg5[%swap3A_247] {strides = array<i32>} : memref<37632xi32, #tpu.memory_space<vmem>>, vector<16xi32>,
        %swap3A_249 = vector.shape_cast %swap3A_248 : vector<16xi32> to vector<16xi32>
        %swap3A_250 = vector.shape_cast %broadcast_in_dim3A_206 : vector<16xi32> to vector<16xi32>
        tpu.vector_store %arg5[%swap3A_247], %swap3A_250 {strides = array<i32>} : memref<37632xi32, #tpu.memory_space<vmem>>, vector<16xi32>,
        %mul3A_251 = arith.constant 128 : i32
        %mul3A_252 = arith.muli %scan3A_211, %mul3A_251 : i32
        %add3A_253 = arith.constant 80 : i32
        %add3A_254 = arith.addi %mul3A_252, %add3A_253 : i32
        %swap3A_255 = arith.index_cast %add3A_254 : i32 to index
        %swap3A_256 = tpu.vector_load %arg5[%swap3A_255] {strides = array<i32>} : memref<37632xi32, #tpu.memory_space<vmem>>, vector<16xi32>,
        %swap3A_257 = vector.shape_cast %swap3A_256 : vector<16xi32> to vector<16xi32>
        %swap3A_258 = vector.shape_cast %broadcast_in_dim3A_206 : vector<16xi32> to vector<16xi32>
        tpu.vector_store %arg5[%swap3A_255], %swap3A_258 {strides = array<i32>} : memref<37632xi32, #tpu.memory_space<vmem>>, vector<16xi32>,
        %mul3A_259 = arith.constant 128 : i32
        %mul3A_260 = arith.muli %scan3A_211, %mul3A_259 : i32
        %add3A_261 = arith.constant 96 : i32
        %add3A_262 = arith.addi %mul3A_260, %add3A_261 : i32
        %swap3A_263 = arith.index_cast %add3A_262 : i32 to index
        %swap3A_264 = tpu.vector_load %arg5[%swap3A_263] {strides = array<i32>} : memref<37632xi32, #tpu.memory_space<vmem>>, vector<16xi32>,
        %swap3A_265 = vector.shape_cast %swap3A_264 : vector<16xi32> to vector<16xi32>
        %swap3A_266 = vector.shape_cast %broadcast_in_dim3A_206 : vector<16xi32> to vector<16xi32>
        tpu.vector_store %arg5[%swap3A_263], %swap3A_266 {strides = array<i32>} : memref<37632xi32, #tpu.memory_space<vmem>>, vector<16xi32>,
        %mul3A_267 = arith.constant 128 : i32
        %mul3A_268 = arith.muli %scan3A_211, %mul3A_267 : i32
        %add3A_269 = arith.constant 112 : i32
        %add3A_270 = arith.addi %mul3A_268, %add3A_269 : i32
        %swap3A_271 = arith.index_cast %add3A_270 : i32 to index
        %swap3A_272 = tpu.vector_load %arg5[%swap3A_271] {strides = array<i32>} : memref<37632xi32, #tpu.memory_space<vmem>>, vector<16xi32>,
        %swap3A_273 = vector.shape_cast %swap3A_272 : vector<16xi32> to vector<16xi32>
        %swap3A_274 = vector.shape_cast %broadcast_in_dim3A_206 : vector<16xi32> to vector<16xi32>
        tpu.vector_store %arg5[%swap3A_271], %swap3A_274 {strides = array<i32>} : memref<37632xi32, #tpu.memory_space<vmem>>, vector<16xi32>,
      }
      %scan3A_210 = arith.constant 294 : i32
    } else {
    }
    %dma_start3A_176 = tpu.memref_slice %arg3[%select_n3A, %add3A_163] : memref<4x2408448xi32, #tpu.memory_space<hbm>> -> memref<1x37632xi32, #tpu.memory_space<hbm>>
    %dma_start3A_177 = tpu.memref_squeeze %dma_start3A_176 : memref<1x37632xi32, #tpu.memory_space<hbm>> -> memref<37632xi32, #tpu.memory_space<hbm>>
    %dma_start3A_178 = tpu.memref_slice %arg3[%select_n3A, %add3A_163] : memref<4x2408448xi32, #tpu.memory_space<hbm>> -> memref<1x37632xi32, #tpu.memory_space<hbm>>
    %dma_start3A_179 = tpu.memref_squeeze %dma_start3A_178 : memref<1x37632xi32, #tpu.memory_space<hbm>> -> memref<37632xi32, #tpu.memory_space<hbm>>
    tpu.enqueue_dma source(%arg5 : memref<37632xi32, #tpu.memory_space<vmem>>) target(%dma_start3A_179 : memref<37632xi32, #tpu.memory_space<hbm>>) target_semaphore(%arg7 : memref<!tpu.dma_semaphore, #tpu.memory_space<semaphore_mem>>)
    %add3A_180 = arith.constant 263424 : i32
    %add3A_181 = arith.addi %mul3A_66, %add3A_180 : i32
    %dma_wait3A_182 = tpu.memref_slice %arg3[%select_n3A, %add3A_145] : memref<4x2408448xi32, #tpu.memory_space<hbm>> -> memref<1x37632xi32, #tpu.memory_space<hbm>>
    %dma_wait3A_183 = tpu.memref_squeeze %dma_wait3A_182 : memref<1x37632xi32, #tpu.memory_space<hbm>> -> memref<37632xi32, #tpu.memory_space<hbm>>
    %dma_wait3A_184 = tpu.memref_slice %arg3[%select_n3A, %add3A_145] : memref<4x2408448xi32, #tpu.memory_space<hbm>> -> memref<1x37632xi32, #tpu.memory_space<hbm>>
    %dma_wait3A_185 = tpu.memref_squeeze %dma_wait3A_184 : memref<1x37632xi32, #tpu.memory_space<hbm>> -> memref<37632xi32, #tpu.memory_space<hbm>>
    tpu.wait_dma2 semaphore(%arg8 : memref<!tpu.dma_semaphore, #tpu.memory_space<semaphore_mem>>) src(%arg6 : memref<37632xi32, #tpu.memory_space<vmem>>) dst(%dma_wait3A_185 : memref<37632xi32, #tpu.memory_space<hbm>>)
    %lt3A_186 = arith.cmpi slt, %add3A_181, %select_n3A_64 : i32
    %convert_element_type3A_187 = arith.extui %lt3A_186 : i1 to i32
    %cond3A_188 = arith.constant 0 : i32
    %cond3A_189 = arith.cmpi ne, %convert_element_type3A_187, %cond3A_188 : i32
    scf.if %cond3A_189 {
      %add3A_206 = arith.addi %select_n3A_55, %add3A_181 : i32
      %add3A_207 = vector.broadcast %add3A_206 : i32 to vector<16xi32>
      %add3A_208 = arith.addi %add3A_207, %iota3A : vector<16xi32>
      %scan3A = arith.constant 0 : i32
      %scan3A_209 = arith.constant 294 : i32
      %scan3A_210 = arith.addi %scan3A, %scan3A_209 : i32
      %scan3A_211 = arith.constant 1 : i32
      %scan3A_212 = scf.for %scan3A_214 = %scan3A to %scan3A_210 step %scan3A_211 iter_args(%scan3A_215 = %add3A_208) -> (vector<16xi32>)  : i32 {
        %add3A_216 = arith.constant 0 : i32
        %add3A_217 = vector.broadcast %add3A_216 : i32 to vector<16xi32>
        %add3A_218 = arith.addi %scan3A_215, %add3A_217 : vector<16xi32>
        %mul3A_219 = arith.constant 128 : i32
        %mul3A_220 = arith.muli %scan3A_214, %mul3A_219 : i32
        %add3A_221 = arith.constant 0 : i32
        %add3A_222 = arith.addi %mul3A_220, %add3A_221 : i32
        %swap3A = arith.index_cast %add3A_222 : i32 to index
        %swap3A_223 = tpu.vector_load %arg6[%swap3A] {strides = array<i32>} : memref<37632xi32, #tpu.memory_space<vmem>>, vector<16xi32>,
        %swap3A_224 = vector.shape_cast %swap3A_223 : vector<16xi32> to vector<16xi32>
        %swap3A_225 = vector.shape_cast %add3A_218 : vector<16xi32> to vector<16xi32>
        tpu.vector_store %arg6[%swap3A], %swap3A_225 {strides = array<i32>} : memref<37632xi32, #tpu.memory_space<vmem>>, vector<16xi32>,
        %add3A_226 = arith.constant 16 : i32
        %add3A_227 = vector.broadcast %add3A_226 : i32 to vector<16xi32>
        %add3A_228 = arith.addi %scan3A_215, %add3A_227 : vector<16xi32>
        %mul3A_229 = arith.constant 128 : i32
        %mul3A_230 = arith.muli %scan3A_214, %mul3A_229 : i32
        %add3A_231 = arith.constant 16 : i32
        %add3A_232 = arith.addi %mul3A_230, %add3A_231 : i32
        %swap3A_233 = arith.index_cast %add3A_232 : i32 to index
        %swap3A_234 = tpu.vector_load %arg6[%swap3A_233] {strides = array<i32>} : memref<37632xi32, #tpu.memory_space<vmem>>, vector<16xi32>,
        %swap3A_235 = vector.shape_cast %swap3A_234 : vector<16xi32> to vector<16xi32>
        %swap3A_236 = vector.shape_cast %add3A_228 : vector<16xi32> to vector<16xi32>
        tpu.vector_store %arg6[%swap3A_233], %swap3A_236 {strides = array<i32>} : memref<37632xi32, #tpu.memory_space<vmem>>, vector<16xi32>,
        %add3A_237 = arith.constant 32 : i32
        %add3A_238 = vector.broadcast %add3A_237 : i32 to vector<16xi32>
        %add3A_239 = arith.addi %scan3A_215, %add3A_238 : vector<16xi32>
        %mul3A_240 = arith.constant 128 : i32
        %mul3A_241 = arith.muli %scan3A_214, %mul3A_240 : i32
        %add3A_242 = arith.constant 32 : i32
        %add3A_243 = arith.addi %mul3A_241, %add3A_242 : i32
        %swap3A_244 = arith.index_cast %add3A_243 : i32 to index
        %swap3A_245 = tpu.vector_load %arg6[%swap3A_244] {strides = array<i32>} : memref<37632xi32, #tpu.memory_space<vmem>>, vector<16xi32>,
        %swap3A_246 = vector.shape_cast %swap3A_245 : vector<16xi32> to vector<16xi32>
        %swap3A_247 = vector.shape_cast %add3A_239 : vector<16xi32> to vector<16xi32>
        tpu.vector_store %arg6[%swap3A_244], %swap3A_247 {strides = array<i32>} : memref<37632xi32, #tpu.memory_space<vmem>>, vector<16xi32>,
        %add3A_248 = arith.constant 48 : i32
        %add3A_249 = vector.broadcast %add3A_248 : i32 to vector<16xi32>
        %add3A_250 = arith.addi %scan3A_215, %add3A_249 : vector<16xi32>
        %mul3A_251 = arith.constant 128 : i32
        %mul3A_252 = arith.muli %scan3A_214, %mul3A_251 : i32
        %add3A_253 = arith.constant 48 : i32
        %add3A_254 = arith.addi %mul3A_252, %add3A_253 : i32
        %swap3A_255 = arith.index_cast %add3A_254 : i32 to index
        %swap3A_256 = tpu.vector_load %arg6[%swap3A_255] {strides = array<i32>} : memref<37632xi32, #tpu.memory_space<vmem>>, vector<16xi32>,
        %swap3A_257 = vector.shape_cast %swap3A_256 : vector<16xi32> to vector<16xi32>
        %swap3A_258 = vector.shape_cast %add3A_250 : vector<16xi32> to vector<16xi32>
        tpu.vector_store %arg6[%swap3A_255], %swap3A_258 {strides = array<i32>} : memref<37632xi32, #tpu.memory_space<vmem>>, vector<16xi32>,
        %add3A_259 = arith.constant 64 : i32
        %add3A_260 = vector.broadcast %add3A_259 : i32 to vector<16xi32>
        %add3A_261 = arith.addi %scan3A_215, %add3A_260 : vector<16xi32>
        %mul3A_262 = arith.constant 128 : i32
        %mul3A_263 = arith.muli %scan3A_214, %mul3A_262 : i32
        %add3A_264 = arith.constant 64 : i32
        %add3A_265 = arith.addi %mul3A_263, %add3A_264 : i32
        %swap3A_266 = arith.index_cast %add3A_265 : i32 to index
        %swap3A_267 = tpu.vector_load %arg6[%swap3A_266] {strides = array<i32>} : memref<37632xi32, #tpu.memory_space<vmem>>, vector<16xi32>,
        %swap3A_268 = vector.shape_cast %swap3A_267 : vector<16xi32> to vector<16xi32>
        %swap3A_269 = vector.shape_cast %add3A_261 : vector<16xi32> to vector<16xi32>
        tpu.vector_store %arg6[%swap3A_266], %swap3A_269 {strides = array<i32>} : memref<37632xi32, #tpu.memory_space<vmem>>, vector<16xi32>,
        %add3A_270 = arith.constant 80 : i32
        %add3A_271 = vector.broadcast %add3A_270 : i32 to vector<16xi32>
        %add3A_272 = arith.addi %scan3A_215, %add3A_271 : vector<16xi32>
        %mul3A_273 = arith.constant 128 : i32
        %mul3A_274 = arith.muli %scan3A_214, %mul3A_273 : i32
        %add3A_275 = arith.constant 80 : i32
        %add3A_276 = arith.addi %mul3A_274, %add3A_275 : i32
        %swap3A_277 = arith.index_cast %add3A_276 : i32 to index
        %swap3A_278 = tpu.vector_load %arg6[%swap3A_277] {strides = array<i32>} : memref<37632xi32, #tpu.memory_space<vmem>>, vector<16xi32>,
        %swap3A_279 = vector.shape_cast %swap3A_278 : vector<16xi32> to vector<16xi32>
        %swap3A_280 = vector.shape_cast %add3A_272 : vector<16xi32> to vector<16xi32>
        tpu.vector_store %arg6[%swap3A_277], %swap3A_280 {strides = array<i32>} : memref<37632xi32, #tpu.memory_space<vmem>>, vector<16xi32>,
        %add3A_281 = arith.constant 96 : i32
        %add3A_282 = vector.broadcast %add3A_281 : i32 to vector<16xi32>
        %add3A_283 = arith.addi %scan3A_215, %add3A_282 : vector<16xi32>
        %mul3A_284 = arith.constant 128 : i32
        %mul3A_285 = arith.muli %scan3A_214, %mul3A_284 : i32
        %add3A_286 = arith.constant 96 : i32
        %add3A_287 = arith.addi %mul3A_285, %add3A_286 : i32
        %swap3A_288 = arith.index_cast %add3A_287 : i32 to index
        %swap3A_289 = tpu.vector_load %arg6[%swap3A_288] {strides = array<i32>} : memref<37632xi32, #tpu.memory_space<vmem>>, vector<16xi32>,
        %swap3A_290 = vector.shape_cast %swap3A_289 : vector<16xi32> to vector<16xi32>
        %swap3A_291 = vector.shape_cast %add3A_283 : vector<16xi32> to vector<16xi32>
        tpu.vector_store %arg6[%swap3A_288], %swap3A_291 {strides = array<i32>} : memref<37632xi32, #tpu.memory_space<vmem>>, vector<16xi32>,
        %add3A_292 = arith.constant 112 : i32
        %add3A_293 = vector.broadcast %add3A_292 : i32 to vector<16xi32>
        %add3A_294 = arith.addi %scan3A_215, %add3A_293 : vector<16xi32>
        %mul3A_295 = arith.constant 128 : i32
        %mul3A_296 = arith.muli %scan3A_214, %mul3A_295 : i32
        %add3A_297 = arith.constant 112 : i32
        %add3A_298 = arith.addi %mul3A_296, %add3A_297 : i32
        %swap3A_299 = arith.index_cast %add3A_298 : i32 to index
        %swap3A_300 = tpu.vector_load %arg6[%swap3A_299] {strides = array<i32>} : memref<37632xi32, #tpu.memory_space<vmem>>, vector<16xi32>,
        %swap3A_301 = vector.shape_cast %swap3A_300 : vector<16xi32> to vector<16xi32>
        %swap3A_302 = vector.shape_cast %add3A_294 : vector<16xi32> to vector<16xi32>
        tpu.vector_store %arg6[%swap3A_299], %swap3A_302 {strides = array<i32>} : memref<37632xi32, #tpu.memory_space<vmem>>, vector<16xi32>,
        %add3A_303 = arith.constant 128 : i32
        %add3A_304 = vector.broadcast %add3A_303 : i32 to vector<16xi32>
        %add3A_305 = arith.addi %scan3A_215, %add3A_304 : vector<16xi32>
        scf.yield %add3A_305 : vector<16xi32>
      }
      %scan3A_213 = arith.constant 294 : i32
    } else {
    }
    %ge3A_190 = arith.cmpi sge, %add3A_181, %select_n3A_64 : i32
    %convert_element_type3A_191 = arith.extui %ge3A_190 : i1 to i32
    %cond3A_192 = arith.constant 0 : i32
    %cond3A_193 = arith.cmpi ne, %convert_element_type3A_191, %cond3A_192 : i32
    scf.if %cond3A_193 {
      %broadcast_in_dim3A = arith.constant 2408448 : i32
      %broadcast_in_dim3A_206 = vector.broadcast %broadcast_in_dim3A : i32 to vector<16xi32>
      %scan3A = arith.constant 0 : i32
      %scan3A_207 = arith.constant 294 : i32
      %scan3A_208 = arith.addi %scan3A, %scan3A_207 : i32
      %scan3A_209 = arith.constant 1 : i32
      scf.for %scan3A_211 = %scan3A to %scan3A_208 step %scan3A_209  : i32 {
        %mul3A_212 = arith.constant 128 : i32
        %mul3A_213 = arith.muli %scan3A_211, %mul3A_212 : i32
        %add3A_214 = arith.constant 0 : i32
        %add3A_215 = arith.addi %mul3A_213, %add3A_214 : i32
        %swap3A = arith.index_cast %add3A_215 : i32 to index
        %swap3A_216 = tpu.vector_load %arg6[%swap3A] {strides = array<i32>} : memref<37632xi32, #tpu.memory_space<vmem>>, vector<16xi32>,
        %swap3A_217 = vector.shape_cast %swap3A_216 : vector<16xi32> to vector<16xi32>
        %swap3A_218 = vector.shape_cast %broadcast_in_dim3A_206 : vector<16xi32> to vector<16xi32>
        tpu.vector_store %arg6[%swap3A], %swap3A_218 {strides = array<i32>} : memref<37632xi32, #tpu.memory_space<vmem>>, vector<16xi32>,
        %mul3A_219 = arith.constant 128 : i32
        %mul3A_220 = arith.muli %scan3A_211, %mul3A_219 : i32
        %add3A_221 = arith.constant 16 : i32
        %add3A_222 = arith.addi %mul3A_220, %add3A_221 : i32
        %swap3A_223 = arith.index_cast %add3A_222 : i32 to index
        %swap3A_224 = tpu.vector_load %arg6[%swap3A_223] {strides = array<i32>} : memref<37632xi32, #tpu.memory_space<vmem>>, vector<16xi32>,
        %swap3A_225 = vector.shape_cast %swap3A_224 : vector<16xi32> to vector<16xi32>
        %swap3A_226 = vector.shape_cast %broadcast_in_dim3A_206 : vector<16xi32> to vector<16xi32>
        tpu.vector_store %arg6[%swap3A_223], %swap3A_226 {strides = array<i32>} : memref<37632xi32, #tpu.memory_space<vmem>>, vector<16xi32>,
        %mul3A_227 = arith.constant 128 : i32
        %mul3A_228 = arith.muli %scan3A_211, %mul3A_227 : i32
        %add3A_229 = arith.constant 32 : i32
        %add3A_230 = arith.addi %mul3A_228, %add3A_229 : i32
        %swap3A_231 = arith.index_cast %add3A_230 : i32 to index
        %swap3A_232 = tpu.vector_load %arg6[%swap3A_231] {strides = array<i32>} : memref<37632xi32, #tpu.memory_space<vmem>>, vector<16xi32>,
        %swap3A_233 = vector.shape_cast %swap3A_232 : vector<16xi32> to vector<16xi32>
        %swap3A_234 = vector.shape_cast %broadcast_in_dim3A_206 : vector<16xi32> to vector<16xi32>
        tpu.vector_store %arg6[%swap3A_231], %swap3A_234 {strides = array<i32>} : memref<37632xi32, #tpu.memory_space<vmem>>, vector<16xi32>,
        %mul3A_235 = arith.constant 128 : i32
        %mul3A_236 = arith.muli %scan3A_211, %mul3A_235 : i32
        %add3A_237 = arith.constant 48 : i32
        %add3A_238 = arith.addi %mul3A_236, %add3A_237 : i32
        %swap3A_239 = arith.index_cast %add3A_238 : i32 to index
        %swap3A_240 = tpu.vector_load %arg6[%swap3A_239] {strides = array<i32>} : memref<37632xi32, #tpu.memory_space<vmem>>, vector<16xi32>,
        %swap3A_241 = vector.shape_cast %swap3A_240 : vector<16xi32> to vector<16xi32>
        %swap3A_242 = vector.shape_cast %broadcast_in_dim3A_206 : vector<16xi32> to vector<16xi32>
        tpu.vector_store %arg6[%swap3A_239], %swap3A_242 {strides = array<i32>} : memref<37632xi32, #tpu.memory_space<vmem>>, vector<16xi32>,
        %mul3A_243 = arith.constant 128 : i32
        %mul3A_244 = arith.muli %scan3A_211, %mul3A_243 : i32
        %add3A_245 = arith.constant 64 : i32
        %add3A_246 = arith.addi %mul3A_244, %add3A_245 : i32
        %swap3A_247 = arith.index_cast %add3A_246 : i32 to index
        %swap3A_248 = tpu.vector_load %arg6[%swap3A_247] {strides = array<i32>} : memref<37632xi32, #tpu.memory_space<vmem>>, vector<16xi32>,
        %swap3A_249 = vector.shape_cast %swap3A_248 : vector<16xi32> to vector<16xi32>
        %swap3A_250 = vector.shape_cast %broadcast_in_dim3A_206 : vector<16xi32> to vector<16xi32>
        tpu.vector_store %arg6[%swap3A_247], %swap3A_250 {strides = array<i32>} : memref<37632xi32, #tpu.memory_space<vmem>>, vector<16xi32>,
        %mul3A_251 = arith.constant 128 : i32
        %mul3A_252 = arith.muli %scan3A_211, %mul3A_251 : i32
        %add3A_253 = arith.constant 80 : i32
        %add3A_254 = arith.addi %mul3A_252, %add3A_253 : i32
        %swap3A_255 = arith.index_cast %add3A_254 : i32 to index
        %swap3A_256 = tpu.vector_load %arg6[%swap3A_255] {strides = array<i32>} : memref<37632xi32, #tpu.memory_space<vmem>>, vector<16xi32>,
        %swap3A_257 = vector.shape_cast %swap3A_256 : vector<16xi32> to vector<16xi32>
        %swap3A_258 = vector.shape_cast %broadcast_in_dim3A_206 : vector<16xi32> to vector<16xi32>
        tpu.vector_store %arg6[%swap3A_255], %swap3A_258 {strides = array<i32>} : memref<37632xi32, #tpu.memory_space<vmem>>, vector<16xi32>,
        %mul3A_259 = arith.constant 128 : i32
        %mul3A_260 = arith.muli %scan3A_211, %mul3A_259 : i32
        %add3A_261 = arith.constant 96 : i32
        %add3A_262 = arith.addi %mul3A_260, %add3A_261 : i32
        %swap3A_263 = arith.index_cast %add3A_262 : i32 to index
        %swap3A_264 = tpu.vector_load %arg6[%swap3A_263] {strides = array<i32>} : memref<37632xi32, #tpu.memory_space<vmem>>, vector<16xi32>,
        %swap3A_265 = vector.shape_cast %swap3A_264 : vector<16xi32> to vector<16xi32>
        %swap3A_266 = vector.shape_cast %broadcast_in_dim3A_206 : vector<16xi32> to vector<16xi32>
        tpu.vector_store %arg6[%swap3A_263], %swap3A_266 {strides = array<i32>} : memref<37632xi32, #tpu.memory_space<vmem>>, vector<16xi32>,
        %mul3A_267 = arith.constant 128 : i32
        %mul3A_268 = arith.muli %scan3A_211, %mul3A_267 : i32
        %add3A_269 = arith.constant 112 : i32
        %add3A_270 = arith.addi %mul3A_268, %add3A_269 : i32
        %swap3A_271 = arith.index_cast %add3A_270 : i32 to index
        %swap3A_272 = tpu.vector_load %arg6[%swap3A_271] {strides = array<i32>} : memref<37632xi32, #tpu.memory_space<vmem>>, vector<16xi32>,
        %swap3A_273 = vector.shape_cast %swap3A_272 : vector<16xi32> to vector<16xi32>
        %swap3A_274 = vector.shape_cast %broadcast_in_dim3A_206 : vector<16xi32> to vector<16xi32>
        tpu.vector_store %arg6[%swap3A_271], %swap3A_274 {strides = array<i32>} : memref<37632xi32, #tpu.memory_space<vmem>>, vector<16xi32>,
      }
      %scan3A_210 = arith.constant 294 : i32
    } else {
    }
    %dma_start3A_194 = tpu.memref_slice %arg3[%select_n3A, %add3A_181] : memref<4x2408448xi32, #tpu.memory_space<hbm>> -> memref<1x37632xi32, #tpu.memory_space<hbm>>
    %dma_start3A_195 = tpu.memref_squeeze %dma_start3A_194 : memref<1x37632xi32, #tpu.memory_space<hbm>> -> memref<37632xi32, #tpu.memory_space<hbm>>
    %dma_start3A_196 = tpu.memref_slice %arg3[%select_n3A, %add3A_181] : memref<4x2408448xi32, #tpu.memory_space<hbm>> -> memref<1x37632xi32, #tpu.memory_space<hbm>>
    %dma_start3A_197 = tpu.memref_squeeze %dma_start3A_196 : memref<1x37632xi32, #tpu.memory_space<hbm>> -> memref<37632xi32, #tpu.memory_space<hbm>>
    tpu.enqueue_dma source(%arg6 : memref<37632xi32, #tpu.memory_space<vmem>>) target(%dma_start3A_197 : memref<37632xi32, #tpu.memory_space<hbm>>) target_semaphore(%arg8 : memref<!tpu.dma_semaphore, #tpu.memory_space<semaphore_mem>>)
    %dma_wait3A_198 = tpu.memref_slice %arg3[%select_n3A, %add3A_163] : memref<4x2408448xi32, #tpu.memory_space<hbm>> -> memref<1x37632xi32, #tpu.memory_space<hbm>>
    %dma_wait3A_199 = tpu.memref_squeeze %dma_wait3A_198 : memref<1x37632xi32, #tpu.memory_space<hbm>> -> memref<37632xi32, #tpu.memory_space<hbm>>
    %dma_wait3A_200 = tpu.memref_slice %arg3[%select_n3A, %add3A_163] : memref<4x2408448xi32, #tpu.memory_space<hbm>> -> memref<1x37632xi32, #tpu.memory_space<hbm>>
    %dma_wait3A_201 = tpu.memref_squeeze %dma_wait3A_200 : memref<1x37632xi32, #tpu.memory_space<hbm>> -> memref<37632xi32, #tpu.memory_space<hbm>>
    tpu.wait_dma2 semaphore(%arg7 : memref<!tpu.dma_semaphore, #tpu.memory_space<semaphore_mem>>) src(%arg5 : memref<37632xi32, #tpu.memory_space<vmem>>) dst(%dma_wait3A_201 : memref<37632xi32, #tpu.memory_space<hbm>>)
    %dma_wait3A_202 = tpu.memref_slice %arg3[%select_n3A, %add3A_181] : memref<4x2408448xi32, #tpu.memory_space<hbm>> -> memref<1x37632xi32, #tpu.memory_space<hbm>>
    %dma_wait3A_203 = tpu.memref_squeeze %dma_wait3A_202 : memref<1x37632xi32, #tpu.memory_space<hbm>> -> memref<37632xi32, #tpu.memory_space<hbm>>
    %dma_wait3A_204 = tpu.memref_slice %arg3[%select_n3A, %add3A_181] : memref<4x2408448xi32, #tpu.memory_space<hbm>> -> memref<1x37632xi32, #tpu.memory_space<hbm>>
    %dma_wait3A_205 = tpu.memref_squeeze %dma_wait3A_204 : memref<1x37632xi32, #tpu.memory_space<hbm>> -> memref<37632xi32, #tpu.memory_space<hbm>>
    tpu.wait_dma2 semaphore(%arg8 : memref<!tpu.dma_semaphore, #tpu.memory_space<semaphore_mem>>) src(%arg6 : memref<37632xi32, #tpu.memory_space<vmem>>) dst(%dma_wait3A_205 : memref<37632xi32, #tpu.memory_space<hbm>>)
    return
  }
}

module attributes {stable_mosaic.version = 14 : i64} {
  func.func @_masks_body(%arg0: i32, %arg1: memref<4xi32, #tpu.memory_space<smem>>, %arg2: memref<4xi32, #tpu.memory_space<smem>>, %arg3: memref<4x114688xi32, #tpu.memory_space<vmem>>, %arg4: memref<4x114688xi32, #tpu.memory_space<vmem>>) attributes {dimension_semantics = [#tpu.dimension_semantics<arbitrary>], iteration_bounds = array<i64: 21>, scalar_prefetch = 0 : i64, scratch_operands = 0 : i64, tpu.core_type = #tpu.core_type<tc>, window_params = [{transform_indices = @transform_0, window_bounds = array<i64: 4>}, {transform_indices = @transform_1, window_bounds = array<i64: 4>}, {transform_indices = @transform_2, window_bounds = array<i64: 4, 114688>}, {transform_indices = @transform_3, window_bounds = array<i64: 4, 114688>}]} {
    %mul3A = arith.constant 114688 : i32
    %mul3A_0 = arith.muli %arg0, %mul3A : i32
    %iota3A = tpu.iota {dimensions = array<i32: 1>} : vector<4x114688xi32>
    %add3A = vector.broadcast %mul3A_0 : i32 to vector<4x114688xi32>
    %add3A_1 = arith.addi %add3A, %iota3A : vector<4x114688xi32>
    %iota3A_2 = tpu.iota {dimensions = array<i32: 0>} : vector<4x114688xi32>
    %get3A = arith.constant 0 : index
    %get3A_3 = memref.load %arg1[%get3A] : memref<4xi32, #tpu.memory_space<smem>>
    %get3A_4 = arith.constant 1 : index
    %get3A_5 = memref.load %arg1[%get3A_4] : memref<4xi32, #tpu.memory_space<smem>>
    %get3A_6 = arith.constant 2 : index
    %get3A_7 = memref.load %arg1[%get3A_6] : memref<4xi32, #tpu.memory_space<smem>>
    %get3A_8 = arith.constant 3 : index
    %get3A_9 = memref.load %arg1[%get3A_8] : memref<4xi32, #tpu.memory_space<smem>>
    %eq3A = arith.constant 0 : i32
    %eq3A_10 = vector.broadcast %eq3A : i32 to vector<4x114688xi32>
    %eq3A_11 = arith.cmpi eq, %iota3A_2, %eq3A_10 : vector<4x114688xi32>
    %eq3A_12 = arith.constant 1 : i32
    %eq3A_13 = vector.broadcast %eq3A_12 : i32 to vector<4x114688xi32>
    %eq3A_14 = arith.cmpi eq, %iota3A_2, %eq3A_13 : vector<4x114688xi32>
    %eq3A_15 = arith.constant 2 : i32
    %eq3A_16 = vector.broadcast %eq3A_15 : i32 to vector<4x114688xi32>
    %eq3A_17 = arith.cmpi eq, %iota3A_2, %eq3A_16 : vector<4x114688xi32>
    %broadcast_in_dim3A = vector.broadcast %get3A_7 : i32 to vector<4x114688xi32>
    %broadcast_in_dim3A_18 = vector.broadcast %get3A_9 : i32 to vector<4x114688xi32>
    %select_n3A = arith.select %eq3A_17, %broadcast_in_dim3A, %broadcast_in_dim3A_18 : vector<4x114688xi1>, vector<4x114688xi32>
    %broadcast_in_dim3A_19 = vector.broadcast %get3A_5 : i32 to vector<4x114688xi32>
    %select_n3A_20 = arith.select %eq3A_14, %broadcast_in_dim3A_19, %select_n3A : vector<4x114688xi1>, vector<4x114688xi32>
    %broadcast_in_dim3A_21 = vector.broadcast %get3A_3 : i32 to vector<4x114688xi32>
    %select_n3A_22 = arith.select %eq3A_11, %broadcast_in_dim3A_21, %select_n3A_20 : vector<4x114688xi1>, vector<4x114688xi32>
    %get3A_23 = arith.constant 0 : index
    %get3A_24 = memref.load %arg2[%get3A_23] : memref<4xi32, #tpu.memory_space<smem>>
    %get3A_25 = arith.constant 1 : index
    %get3A_26 = memref.load %arg2[%get3A_25] : memref<4xi32, #tpu.memory_space<smem>>
    %get3A_27 = arith.constant 2 : index
    %get3A_28 = memref.load %arg2[%get3A_27] : memref<4xi32, #tpu.memory_space<smem>>
    %get3A_29 = arith.constant 3 : index
    %get3A_30 = memref.load %arg2[%get3A_29] : memref<4xi32, #tpu.memory_space<smem>>
    %eq3A_31 = arith.constant 0 : i32
    %eq3A_32 = vector.broadcast %eq3A_31 : i32 to vector<4x114688xi32>
    %eq3A_33 = arith.cmpi eq, %iota3A_2, %eq3A_32 : vector<4x114688xi32>
    %eq3A_34 = arith.constant 1 : i32
    %eq3A_35 = vector.broadcast %eq3A_34 : i32 to vector<4x114688xi32>
    %eq3A_36 = arith.cmpi eq, %iota3A_2, %eq3A_35 : vector<4x114688xi32>
    %eq3A_37 = arith.constant 2 : i32
    %eq3A_38 = vector.broadcast %eq3A_37 : i32 to vector<4x114688xi32>
    %eq3A_39 = arith.cmpi eq, %iota3A_2, %eq3A_38 : vector<4x114688xi32>
    %broadcast_in_dim3A_40 = vector.broadcast %get3A_28 : i32 to vector<4x114688xi32>
    %broadcast_in_dim3A_41 = vector.broadcast %get3A_30 : i32 to vector<4x114688xi32>
    %select_n3A_42 = arith.select %eq3A_39, %broadcast_in_dim3A_40, %broadcast_in_dim3A_41 : vector<4x114688xi1>, vector<4x114688xi32>
    %broadcast_in_dim3A_43 = vector.broadcast %get3A_26 : i32 to vector<4x114688xi32>
    %select_n3A_44 = arith.select %eq3A_36, %broadcast_in_dim3A_43, %select_n3A_42 : vector<4x114688xi1>, vector<4x114688xi32>
    %broadcast_in_dim3A_45 = vector.broadcast %get3A_24 : i32 to vector<4x114688xi32>
    %select_n3A_46 = arith.select %eq3A_33, %broadcast_in_dim3A_45, %select_n3A_44 : vector<4x114688xi1>, vector<4x114688xi32>
    %ge3A = arith.cmpi sge, %add3A_1, %select_n3A_22 : vector<4x114688xi32>
    %lt3A = arith.cmpi slt, %add3A_1, %select_n3A_46 : vector<4x114688xi32>
    %and3A = arith.andi %ge3A, %lt3A : vector<4x114688xi1>
    %swap3A = arith.constant 0 : index
    %swap3A_47 = arith.constant 0 : index
    %swap3A_48 = vector.load %arg4[%swap3A, %swap3A_47] : memref<4x114688xi32, #tpu.memory_space<vmem>>, vector<4x114688xi32>
    %swap3A_49 = arith.extui %and3A : vector<4x114688xi1> to vector<4x114688xi32>
    %swap3A_50 = arith.constant dense<0> : vector<4x114688xi32>
    %swap3A_51 = arith.cmpi ne, %swap3A_48, %swap3A_50 : vector<4x114688xi32>
    tpu.vector_store %arg4[%swap3A, %swap3A_47], %swap3A_49 {strides = array<i32>} : memref<4x114688xi32, #tpu.memory_space<vmem>>, vector<4x114688xi32>,
    %not3A = arith.constant dense<true> : vector<4x114688xi1>
    %not3A_52 = arith.xori %and3A, %not3A : vector<4x114688xi1>
    %swap3A_53 = arith.constant 0 : index
    %swap3A_54 = arith.constant 0 : index
    %swap3A_55 = vector.load %arg3[%swap3A_53, %swap3A_54] : memref<4x114688xi32, #tpu.memory_space<vmem>>, vector<4x114688xi32>
    %swap3A_56 = arith.extui %not3A_52 : vector<4x114688xi1> to vector<4x114688xi32>
    %swap3A_57 = arith.constant dense<0> : vector<4x114688xi32>
    %swap3A_58 = arith.cmpi ne, %swap3A_55, %swap3A_57 : vector<4x114688xi32>
    tpu.vector_store %arg3[%swap3A_53, %swap3A_54], %swap3A_56 {strides = array<i32>} : memref<4x114688xi32, #tpu.memory_space<vmem>>, vector<4x114688xi32>,
    return
  }
  func.func @transform_0(%arg0: i32) -> i32 {
    %c0_i32 = arith.constant 0 : i32
    %c0_i32_0 = arith.constant 0 : i32
    return %c0_i32 : i32
  }
  func.func @transform_1(%arg0: i32) -> i32 {
    %c0_i32 = arith.constant 0 : i32
    %c0_i32_0 = arith.constant 0 : i32
    return %c0_i32 : i32
  }
  func.func @transform_2(%arg0: i32) -> (i32, i32) {
    %c0_i32 = arith.constant 0 : i32
    %c0_i32_0 = arith.constant 0 : i32
    return %c0_i32, %arg0 : i32, i32
  }
  func.func @transform_3(%arg0: i32) -> (i32, i32) {
    %c0_i32 = arith.constant 0 : i32
    %c0_i32_0 = arith.constant 0 : i32
    return %c0_i32, %arg0 : i32, i32
  }
}

</mosaic_0001>

<sc_bundles>
// kernel: kernel.4.cloned.1.call-start
scs
__scs_entry_jumppad:
0x0: {  	(pc) =	sbr.rel $0x88, $3  }
0x1: {  	(tag) =	ssettag $0x0;
	lr =	simm.s32 $0x1  }
0x2: {  	[smem:$0x3F9F] =	sst lr;
	_ =	strace $0xD0000000  }
0x3: {  	_ = 	snop  }
0x4: {  	_ = 	snop  }
0x5: {  	_ = 	snop  }
0x6: {  	_ = 	snop  }
0x7: {  	_ = 	snop  }
__scs_overlays_trampoline_lowered:
0x8: {  	[smem:$0x3FAE] =	sst s0  }
0x9: {  	[smem:$0x3FAF] =	sst s1  }
0xa: {  	[smem:$0x3FB0] =	sst s2  }
0xb: {  	[smem:$0x3FB1] =	sst s3  }
0xc: {  	[smem:$0x3FB2] =	sst s4  }
0xd: {  	[smem:$0x3FB3] =	sst s5  }
0xe: {  	[smem:$0x3FB4] =	sst s6  }
0xf: {  	[smem:$0x3FB5] =	sst s7  }
0x10: {  	[smem:$0x3FB6] =	sst s8  }
0x11: {  	[smem:$0x3FB7] =	sst s9;
	s0 =	simm.s32 @!p0 $0x0  }
0x12: {  	s1 =	sld [smem:$0x3F9D];
	s0 =	simm.s32 @p0 $0x1  }
0x13: {  	[smem:$0x3FB8] =	sst s0;
	s0 =	simm.s32 @!p1 $0x0  }
0x14: {  	s2 =	sld [smem:$0x3F9C];
	s0 =	simm.s32 @p1 $0x1  }
0x15: {  	[smem:$0x3FB9] =	sst s0;
	s0 =	simm.s32 @!p2 $0x0  }
0x16: {  	s3 =	sld [smem:$0x3FDB];
	s0 =	simm.s32 @p2 $0x1  }
0x17: {  	s4 =	simm.s32 $0x1BF5;
	[smem:$0x3FBB] =	sst s0  }
0x18: {  	s0 =	sld [smem:$0x3F9E];
	_ =	swait.ge [sflag:s4], $0x0  }
0x19: {  	s7 =	sld [smem:$0x3F9F]  }
0x1a: {  	s8 =	sadd.s32 $0xFFFFE003, lr  }
0x1b: {  	s9 =	sadd.s32 $0xFFFFFEF7, lr;
	s5 =	simm.s32 $0xFFFFFFFF;
	p2 =	slt.u32 s8, $0xFFFFF086  }
0x1c: {  	p1 =	slt.u32 s9, $0xF7A;
	s5 =	simm.s32 @!p2 $0x0  }
0x1d: {  	s5 =	simm.s32 @p1 $0x1;
	p0 =	seq.s32 s7, s2  }
0x1e: {  	s7 =	smul.u32 @!p0 $0xF7A, s2;
	p2 =	seq.s32 @!p0 s5, $0x0  }
0x1f: {  	s9 =	smul.u32 $0xF7A, s1;
	s8 =	simm.s32 @!p0 $0x1BF5;
	p2 =	por !p2, p0  }
0x20: {  	[sflag:s8] =	ssyncset.s32 @!p0 $0xFFFFF086;
	s6 =	sadd.s32 @!p0 s3, s7;
	s7 =	simm.s32 @!p0 $0x108  }
0x21: {  	s3 =	sadd.s32 s3, s9;
	s6 =	sadd.s32 @!p0 $0x88, s6;
	s7 =	simm.s32 @p2 $0x1082  }
0x22: {  	[simem:s7], [sflag:s8] =	dma.local @!p0 [hbm:s6], $0xF7A  }
0x23: {  	s9 =	sor.u32 $0xD0000000, s2;
	s6 =	simm.s32 $0x108;
	_ =	swait.ge @!p0 [sflag:s8], $0x0  }
0x24: {  	s3 =	sadd.s32 $0x88, s3;
	s6 =	simm.s32 @!p1 $0x1082;
	[sflag:s4] =	ssyncset.s32 $0xFFFFF086  }
0x25: {  	[simem:s6], [sflag:s4] =	dma.local [hbm:s3], $0xF7A  }
0x26: {  	[smem:$0x3F9F] =	sst s1;
	(tag) =	ssettag s2;
	_ =	strace s9  }
0x27: {  	s1 =	sld [smem:$0x3FAF]  }
0x28: {  	s2 =	sld [smem:$0x3FB0]  }
0x29: {  	s4 =	sld [smem:$0x3FB2]  }
0x2a: {  	p0 =	seq.s32 s5, $0x0;
	s5 =	sld [smem:$0x3FB3]  }
0x2b: {  	s6 =	sld [smem:$0x3FB4]  }
0x2c: {  	s7 =	sld [smem:$0x3FB5]  }
0x2d: {  	s3 =	simm.s32 $0x108;
	s8 =	sld [smem:$0x3FB6]  }
0x2e: {  	s3 =	simm.s32 @!p0 $0x1082;
	s9 =	sld [smem:$0x3FB7]  }
0x2f: {  	lr =	sadd.s32 s0, s3;
	s0 =	sld [smem:$0x3FAE]  }
0x30: {  	s3 =	sld [smem:$0x3FB1]  }
0x31: {  	[smem:$0x3FBA] =	sst s10  }
0x32: {  	s10 =	sld [smem:$0x3FB8];
	_ =	sdelay $0x3  }
0x33: {  	p0 =	seq.s32 s10, $0x1;
	s10 =	sld [smem:$0x3FBA];
	_ =	sdelay $0x3  }
0x34: {  	[smem:$0x3FBA] =	sst s10  }
0x35: {  	s10 =	sld [smem:$0x3FB9];
	_ =	sdelay $0x3  }
0x36: {  	p1 =	seq.s32 s10, $0x1;
	s10 =	sld [smem:$0x3FBA];
	_ =	sdelay $0x3  }
0x37: {  	[smem:$0x3FBA] =	sst s10  }
0x38: {  	s10 =	sld [smem:$0x3FBB]  }
0x39: {  	_ = 	snop;
	(pc) =	sbr.ind lr, $3  }
0x3a: {  	_ = 	snop  }
0x3b: {  	_ = 	snop  }
0x3c: {  	p2 =	seq.s32 s10, $0x1;
	s10 =	sld [smem:$0x3FBA]  }
0x3d: {  	_ =	shalt  }
0x3e: {  	_ =	shalt  }
0x3f: {  	_ =	shalt  }
0x40: {  	_ =	shalt  }
0x41: {  	_ =	shalt  }
0x42: {  	_ =	shalt  }
0x43: {  	_ =	shalt  }
0x44: {  	_ =	shalt  }
0x45: {  	_ =	shalt  }
0x46: {  	_ =	shalt  }
0x47: {  	_ =	shalt  }
0x48: {  	_ =	shalt  }
0x49: {  	_ =	shalt  }
0x4a: {  	_ =	shalt  }
0x4b: {  	_ =	shalt  }
0x4c: {  	_ =	shalt  }
0x4d: {  	_ =	shalt  }
0x4e: {  	_ =	shalt  }
0x4f: {  	_ =	shalt  }
0x50: {  	_ =	shalt  }
0x51: {  	_ =	shalt  }
0x52: {  	_ =	shalt  }
0x53: {  	_ =	shalt  }
0x54: {  	_ =	shalt  }
0x55: {  	_ =	shalt  }
0x56: {  	_ =	shalt  }
0x57: {  	_ =	shalt  }
0x58: {  	_ =	shalt  }
0x59: {  	_ =	shalt  }
0x5a: {  	_ =	shalt  }
0x5b: {  	_ =	shalt  }
0x5c: {  	_ =	shalt  }
0x5d: {  	_ =	shalt  }
0x5e: {  	_ =	shalt  }
0x5f: {  	_ =	shalt  }
0x60: {  	_ =	shalt  }
0x61: {  	_ =	shalt  }
0x62: {  	_ =	shalt  }
0x63: {  	_ =	shalt  }
0x64: {  	_ =	shalt  }
0x65: {  	_ =	shalt  }
0x66: {  	_ =	shalt  }
0x67: {  	_ =	shalt  }
0x68: {  	_ =	shalt  }
0x69: {  	_ =	shalt  }
0x6a: {  	_ =	shalt  }
0x6b: {  	_ =	shalt  }
0x6c: {  	_ =	shalt  }
0x6d: {  	_ =	shalt  }
0x6e: {  	_ =	shalt  }
0x6f: {  	_ =	shalt  }
0x70: {  	_ =	shalt  }
0x71: {  	_ =	shalt  }
0x72: {  	_ =	shalt  }
0x73: {  	_ =	shalt  }
0x74: {  	_ =	shalt  }
0x75: {  	_ =	shalt  }
0x76: {  	_ =	shalt  }
0x77: {  	_ =	shalt  }
0x78: {  	_ =	shalt  }
0x79: {  	_ =	shalt  }
0x7a: {  	_ =	shalt  }
0x7b: {  	_ =	shalt  }
0x7c: {  	_ =	shalt  }
0x7d: {  	_ =	shalt  }
0x7e: {  	_ =	shalt  }
0x7f: {  	_ =	shalt  }
0x80: {  	_ =	shalt  }
0x81: {  	_ =	shalt  }
0x82: {  	_ =	shalt  }
0x83: {  	_ =	shalt  }
0x84: {  	_ =	shalt  }
0x85: {  	_ =	shalt  }
0x86: {  	_ =	shalt  }
0x87: {  	_ =	shalt  }
.Lfunc_end0:
.L_simem_size_0:
called_computation_lowered:
.L_overlay_start_0:
0x88: {  	s2 =	sld [smem:$0x3FD9]  }
0x89: {  	s3 =	sld [smem:$0x3FFE];
	_ =	sdelay $0x1  }
0x8a: {  	s1 =	srdreg.scid  }
0x8b: {  	s0 =	sand.u32 $0x1, s1  }
0x8c: {  	s14 =	sshll.u32 s0, $0xA;
	s2 =	sadd.s32 s3, s2  }
0x8d: {  	s2 =	sadd.s32 s2, s14  }
0x8e: {  	[smem:$0x3FC6] =	sst s2  }
0x8f: {  	_ = 	snop  }
0x90: {  	s2 =	sld [smem:$0x3FD0];
	_ =	sdelay $0x2  }
0x91: {  	s15 =	simm.s32 $0xA;
	s4 =	simm.s32 $0x10  }
0x92: {  	[smem:s4], [sflag:s15] =	dma.local [hbm:s2], $0x1  }
0x93: {  	_ =	swait.eq [sflag:s15], $0x1  }
0x94: {  	[sflag:s15] =	ssyncset.done $0x0  }
0x95: {  	[sflag:s15] =	ssyncadd.s32 $0xFFFFFFFF  }
0x96: {  	s16 =	sld [smem:$0x12];
	(tm) =	ssettm $0x1  }
0x97: {  	s17 =	sld [smem:$0x3FFB];
	_ =	sdelay $0x3  }
0x98: {  	_ =	strace s17  }
0x99: {  	s3 =	sld [smem:$0x3FFC];
	_ =	sdelay $0x3  }
0x9a: {  	_ =	strace s3  }
0x9b: {  	s3 =	sld [smem:$0x3FFD];
	_ =	sdelay $0x3  }
0x9c: {  	_ =	strace s3  }
0x9d: {  	_ =	strace $0x8FFFFFFF  }
0x9e: {  	s18 =	sld [smem:$0x3FDB];
	_ =	sdelay $0x1  }
0x9f: {  	s19 =	simm.s32 $_scs_section_size  }
0xa0: {  	s5 =	simm.s32 $_size__tile_overlayer_lowered;
	s6 =	simm.s32 $_tile_overlayer_lowered  }
0xa1: {  	s22 =	simm.s32 $0x1BFF;
	s21 =	sshll.u32 s6, $0x1;
	s3 =	sadd.s32 s19, s18  }
0xa2: {  	s7 =	simm.s32 $0x0;
	s20 =	sshll.u32 s5, $0x1;
	s5 =	sadd.s32 s21, s3  }
0xa3: {  	[timem:s7], [sflag:s22] =	dma.local [hbm:s5], s20  }
0xa4: {  	_ =	swait.ge [sflag:s22], s20  }
0xa5: {  	s4 =	ssub.s32 $0x0, s20;
	[sflag:s22] =	ssyncset.done $0x0  }
0xa6: {  	[sflag:s22] =	ssyncadd.s32 s4;
	_ =	sdelay $0x1  }
0xa7: {  	s23 =	simm.s32 $0x1B8B  }
0xa8: {  	_ =	swait.ge [sflag:s23], $0x1  }
0xa9: {  	[sflag:s23] =	ssyncset.done $0x0  }
0xaa: {  	s25 =	simm.s32 $0x1B8E;
	s24 =	sld [smem:$0x3FFE];
	[sflag:s23] =	ssyncadd.s32 $0xFFFFFFFF  }
0xab: {  	s26 =	simm.s32 $execute0_lowered;
	[smem:$0x3FD2] =	sst s25  }
0xac: {  	s5 =	sshll.u32 s26, $0x1;
	_ =	strace $0x80000046;
	[dreg:$0x1] =	wrdreg $0xFFFFFFFF  }
0xad: {  	s28 =	simm.s32 $_size_execute0_lowered;
	s3 =	sadd.s32 s3, s5;
	[dreg:$0x0] =	wrdreg $0x0  }
0xae: {  	s5 =	sshll.u32 s28, $0x1;
	[dreg:$0x2] =	wrdreg s3  }
0xaf: {  	[dreg:$0x3] =	wrdreg s5  }
0xb0: {  	[dreg:$0x4] =	wrdreg $0xC0  }
0xb1: {  	_ =	task [dreg:s7], $0x5FFFF  }
0xb2: {  	[dreg:$0x1] =	wrdreg $0xFFFFFFFF  }
0xb3: {  	[dreg:$0x0] =	wrdreg $0x60  }
0xb4: {  	[dreg:$0x2] =	wrdreg s24  }
0xb5: {  	[dreg:$0x3] =	wrdreg s16  }
0xb6: {  	[dreg:$0x4] =	wrdreg $0x9  }
0xb7: {  	_ =	task.clear_ibuf [dreg:s7], $0x5FFFF;
	_ =	strace $0x90000046  }
0xb8: {  	s29 =	simm.s32 $0x9;
	_ =	strace $0x80000048  }
0xb9: {  	_ =	swait.ge [sflag:s29], $0x1  }
0xba: {  	[sflag:s29] =	ssyncadd.s32 $0xFFFFFFFF  }
0xbb: {  	_ =	strace $0x90000048  }
0xbc: {  	_ =	sfence  }
0xbd: {  	s30 =	sld [smem:$0x0];
	_ =	sdelay $0x2  }
0xbe: {  	s31 =	sshll.u32 s1, $0xD;
	s1 =	sshrl.u32 s1, $0x2  }
0xbf: {  	s3 =	sand.u32 $0x4000, s31;
	s1 =	sadd.s32 s1, s30  }
0xc0: {  	s0 =	sor.u32 s3, s0;
	s1 =	sshll.u32 s1, $0x11  }
0xc1: {  	s0 =	sor.u32 s1, s0  }
0xc2: {  	s0 =	sadd.s32 $0x8F2B, s0  }
0xc3: {  	[sflag:s0] =	ssyncadd.remote.s32 $0x1  }
0xc4: {  	_ =	sfence.sel $0xFFFF  }
0xc5: {  	[dreg:$0x0] =	wrdreg $0xFFFFFFFF;
	(pc) =	sbr.abs _section_cstart, $3  }
0xc6: {  	[dreg:$0x1] =	wrdreg $0xFFFFFFFF  }
0xc7: {  	_ =	task.clear_ibuf [dreg:s7], $0x2FFFF;
	_ =	strace $0x9FFFFFFF  }
0xc8: {  	(tm) =	ssettm $0x7FFFFFFF  }
0xc9: {  	_ =	shalt  }
tec
execute0_lowered:
.L_overlay_start_1:
0x0: {  	(tag) =	ssettag $0x1  }
0x1: {  	s0 =	stileid.u32;
	s1 =	rddreg [dreg:$0x0]  }
0x2: {  	s2 =	srdreg.scid;
	s19 =	rddreg [dreg:$0x1]  }
0x3: {  	s23 =	simm.s32 $0x80;
	s24 =	simm.s32 $0x9380;
	s28 =	simm.s32 $0x0  }
0x4: {  	s3 =	sshll.u32 s0, $0x1;
	s6 =	sand.u32 $0x1, s2;
	s2 =	simm.s32 $0x0  }
0x5: {  	s21 =	sshrl.u32 s0, $0x2;
	s25 =	sadd.s32 $0xE00, s1;
	s3 =	sand.u32 $0x6, s3  }
0x6: {  	[smem:$0x7FF] =	sst s2;
	s26 =	sshll.u32 s21, $0x7;
	p0 =	seq.s32 s21, $0x2  }
0x7: {  	p1 =	seq.s32 s21, $0x1;
	p2 =	seq.s32 s21, $0x0;
	s4 =	sor.u32 s6, s3  }
0x8: {  	s21 =	simm.s32 $0x3;
	s6 =	ssub.s32 $0x2, s6;
	s3 =	smul.u32 $0x49800, s4  }
0x9: {  	_ =	strace $0x80000047;
	s7 =	smul.u32 $0x126000, s4;
	s9 =	sshrl.u32 s6, $0x1  }
0xa: {  	[dreg:$0x3] =	wrdreg s25;
	s25 =	simm.s32 $0x1;
	s20 =	ssub.s32 s6, s9  }
0xb: {  	s5 =	sadd.s32 $0x9300, s3;
	s7 =	sor.u32 s26, s7;
	s9 =	sadd.s32 $0x1B900, s3  }
0xc: {  	s10 =	sadd.s32 $0x24C00, s3;
	s14 =	sadd.s32 $0x2DF00, s3;
	s15 =	sadd.s32 $0x37200, s3  }
0xd: {  	s16 =	sadd.s32 $0x40500, s3;
	s20 =	smax.u32 s20, $0x1;
	s8 =	sshll.u32 s5, $0x2  }
0xe: {  	s7 =	sshrl.u32 s7, $0x3;
	s12 =	sshll.u32 s9, $0x2;
	s13 =	sshll.u32 s10, $0x2  }
0xf: {  	s17 =	sshll.u32 s14, $0x2;
	s18 =	sshll.u32 s15, $0x2;
	s22 =	sshll.u32 s16, $0x2  }
0x10: {  	s8 =	sor.u32 s26, s8;
	s29 =	sadd.s32 s19, s7;
	s12 =	sor.u32 s26, s12  }
0x11: {  	s13 =	sor.u32 s26, s13;
	s17 =	sor.u32 s26, s17;
	s18 =	sor.u32 s26, s18  }
0x12: {  	s1 =	sor.u32 s26, s22;
	s22 =	simm.s32 $0x200;
	s7 =	simm.s32 $0x0  }
0x13: {  	[dreg:$0x4] =	wrdreg s29;
	s30 =	sshrl.u32 s8, $0x3;
	s8 =	sadd.s32 $0x12600, s3  }
0x14: {  	s12 =	sshrl.u32 s12, $0x3;
	s13 =	sshrl.u32 s13, $0x3;
	s17 =	sshrl.u32 s17, $0x3  }
.Ltmp0:
0x15: {  	s18 =	sshrl.u32 s18, $0x3;
	s1 =	sshrl.u32 s1, $0x3;
	(pc) =	sbr.rel .LBB2_1-.Ltmp0, $4  }
0x16: {  	s31 =	sadd.s32 s19, s30;
	s11 =	sshll.u32 s8, $0x2;
	s12 =	sadd.s32 s19, s12  }
0x17: {  	s13 =	sadd.s32 s19, s13;
	s17 =	sadd.s32 s19, s17;
	s11 =	sor.u32 s26, s11  }
0x18: {  	s18 =	sadd.s32 s19, s18;
	[dreg:$0x5] =	wrdreg s31;
	s11 =	sshrl.u32 s11, $0x3  }
0x19: {  	v0 =	vlaneseq.u32;
	v1 =	vimm.s32 $0x24C000;
	s26 =	simm.s32 $0x2;
	s11 =	sadd.s32 s19, s11;
	s19 =	sadd.s32 s19, s1  }
.LBB2_56:
0x1a: {  	[tilespmem:s29+$0x93F0] =	vst v1  }
0x1b: {  	[tilespmem:s29+$0x9380] =	vst v1  }
0x1c: {  	[tilespmem:s29+$0x9390] =	vst v1  }
0x1d: {  	[tilespmem:s29+$0x93A0] =	vst v1  }
0x1e: {  	[tilespmem:s29+$0x93B0] =	vst v1  }
0x1f: {  	[tilespmem:s29+$0x93C0] =	vst v1  }
0x20: {  	[tilespmem:s29+$0x93D0] =	vst v1  }
0x21: {  	[tilespmem:s29+$0x93E0] =	vst v1  }
.LBB2_57:
0x22: {  	[hbm4b:s19+s23] =	stream.strided.scatter [tilespmem:s24], [sflag:$0x2], $0x9300, s22, s23, $0x38;
	[tilespmem:$0x12680] =	vst v63  }
0x23: {  	s28 =	sadd.s32 $0x1, s28  }
0x24: {  	_ =	swait.ge [sflag:s25], $0x9300;
	p3 =	sne.s32 s28, s20  }
.Ltmp1:
0x25: {  	[sflag:s25] =	ssyncset.done $0x0;
	(pc) =	sbr.rel @!p3 .LBB2_58-.Ltmp1, $4  }
0x26: {  	[sflag:s25] =	ssyncadd.s32 $0xFFFF6D00  }
0x27: {  	_ =	swait.ge [sflag:s26], $0x9300  }
0x28: {  	[sflag:s26] =	ssyncset.done $0x0  }
0x29: {  	[sflag:s26] =	ssyncadd.s32 $0xFFFF6D00  }
.LBB2_1:
0x2a: {  	s0 =	rddreg [dreg:$0x3]  }
0x2b: {  	[tilespmem:s2], [sflag:$0x3] =	stream.linear.gather [hbm4b:s0+s2], $0x80, $0x38;
	[tilespmem:$0x12680] =	vst v63  }
0x2c: {  	_ =	swait.ge [sflag:s21], $0x80  }
0x2d: {  	[sflag:s21] =	ssyncset.done $0x0  }
0x2e: {  	[sflag:s21] =	ssyncadd.s32 $0xFFFFFF80  }
0x2f: {  	v2 =	vld [tilespmem:$0x0];
	_ =	sdelay $0x4  }
0x30: {  	(v2sf) =	vpush v2, $0x0  }
0x31: {  	(v2sf) =	vpush v2, $0x1  }
0x32: {  	(v2sf) =	vpush v2, $0x2  }
0x33: {  	(v2sf) =	vpush v2, $0x3  }
0x34: {  	(v2sf) =	vpush v2, $0x4  }
0x35: {  	(v2sf) =	vpush v2, $0x5  }
0x36: {  	(v2sf) =	vpush v2, $0x6  }
0x37: {  	(v2sf) =	vpush v2, $0x7;
	_ =	sdelay $0x7  }
0x38: {  	s1 =	spop (v2sf)  }
0x39: {  	s31 =	spop (v2sf)  }
0x3a: {  	s0 =	spop (v2sf)  }
0x3b: {  	s29 =	spop (v2sf)  }
0x3c: {  	s2 =	spop (v2sf)  }
0x3d: {  	s4 =	spop (v2sf)  }
0x3e: {  	s6 =	spop (v2sf)  }
0x3f: {  	s30 =	spop (v2sf)  }
0x40: {  	s30 =	smov.u32 @p0 s6  }
0x41: {  	s30 =	smov.u32 @p1 s4  }
0x42: {  	s30 =	smov.u32 @p2 s2  }
0x43: {  	p3 =	sge.s32 s3, s30  }
.Ltmp2:
0x44: {  	_ = 	snop;
	(pc) =	sbr.rel @p3 .LBB2_5-.Ltmp2, $4  }
0x45: {  	_ = 	snop  }
0x46: {  	s29 =	smov.u32 @p0 s0  }
0x47: {  	s29 =	smov.u32 @p1 s31  }
0x48: {  	s29 =	smov.u32 @p2 s1  }
0x49: {  	s0 =	sadd.s32 s3, s29  }
0x4a: {  	v2 =	vadd.s32 s0, v0  }
0x4b: {  	s31 =	simm.s32 $0x0;
	s1 =	simm.s32 $0x200;
	v4 =	vadd.s32 $0x10, v2;
	v3 =	vadd.s32 $0x20, v2;
	v5 =	vadd.s32 $0x70, v2  }
.LBB2_3:
0x4c: {  	p3 =	seq.s32 s1, $0x24A00;
	v6 =	vadd.s32 $0x30, v2;
	v7 =	vadd.s32 $0x40, v2;
	v8 =	vadd.s32 $0x50, v2;
	[tilespmem:s31+$0xF0] =	vst v5  }
0x4d: {  	v9 =	vadd.s32 $0x60, v2;
	[tilespmem:s31+$0x80] =	vst v2  }
0x4e: {  	[tilespmem:s31+$0x90] =	vst v4  }
.Ltmp3:
0x4f: {  	[tilespmem:s31+$0xA0] =	vst v3;
	(pc) =	sbr.rel @!p3 .LBB2_3-.Ltmp3, $4  }
0x50: {  	[tilespmem:s31+$0xB0] =	vst v6  }
0x51: {  	[tilespmem:s31+$0xC0] =	vst v7  }
0x52: {  	v2 =	vadd.s32 $0x80, v2;
	[tilespmem:s31+$0xD0] =	vst v8  }
0x53: {  	v4 =	vadd.s32 $0x10, v2;
	v5 =	vadd.s32 $0x70, v2;
	v3 =	vadd.s32 $0x20, v2;
	[tilespmem:s31+$0xE0] =	vst v9;
	s31 =	sshra.s32 s1, $0x2;
	s1 =	sadd.s32 $0x200, s1  }
0x54: {  	[tilespmem:s31+$0xF0] =	vst v5  }
0x55: {  	[tilespmem:s31+$0x80] =	vst v2  }
0x56: {  	[tilespmem:s31+$0x90] =	vst v4  }
.Ltmp4:
0x57: {  	v62 =	vadd.s32 $0x30, v2;
	[tilespmem:s31+$0xA0] =	vst v3;
	(pc) =	sbr.rel .LBB2_8-.Ltmp4, $4  }
0x58: {  	v3 =	vadd.s32 $0x40, v2;
	[tilespmem:s31+$0xB0] =	vst v62  }
0x59: {  	v63 =	vadd.s32 $0x50, v2;
	[tilespmem:s31+$0xC0] =	vst v3  }
0x5a: {  	v2 =	vadd.s32 $0x60, v2;
	[tilespmem:s31+$0xD0] =	vst v63  }
0x5b: {  	s2 =	simm.s32 $0x0;
	[tilespmem:s31+$0xE0] =	vst v2  }
.LBB2_5:
0x5c: {  	s31 =	sshra.s32 s7, $0x2;
	s1 =	sadd.s32 $0x200, s7;
	s2 =	simm.s32 $0x0  }
.LBB2_6:
0x5d: {  	p3 =	sne.s32 s1, $0x24A00;
	[tilespmem:s31+$0xF0] =	vst v1  }
0x5e: {  	[tilespmem:s31+$0x80] =	vst v1  }
0x5f: {  	[tilespmem:s31+$0x90] =	vst v1  }
.Ltmp5:
0x60: {  	[tilespmem:s31+$0xA0] =	vst v1;
	(pc) =	sbr.rel @p3 .LBB2_6-.Ltmp5, $4  }
0x61: {  	[tilespmem:s31+$0xB0] =	vst v1  }
0x62: {  	[tilespmem:s31+$0xC0] =	vst v1  }
0x63: {  	[tilespmem:s31+$0xD0] =	vst v1  }
0x64: {  	[tilespmem:s31+$0xE0] =	vst v1;
	s31 =	sshra.s32 s1, $0x2;
	s1 =	sadd.s32 $0x200, s1  }
0x65: {  	[tilespmem:s31+$0xF0] =	vst v1  }
0x66: {  	[tilespmem:s31+$0x80] =	vst v1  }
0x67: {  	[tilespmem:s31+$0x90] =	vst v1  }
0x68: {  	[tilespmem:s31+$0xA0] =	vst v1  }
0x69: {  	[tilespmem:s31+$0xB0] =	vst v1  }
0x6a: {  	[tilespmem:s31+$0xC0] =	vst v1  }
0x6b: {  	[tilespmem:s31+$0xD0] =	vst v1  }
0x6c: {  	[tilespmem:s31+$0xE0] =	vst v1  }
.LBB2_8:
0x6d: {  	p3 =	sge.s32 s5, s30  }
.Ltmp6:
0x6e: {  	_ = 	snop;
	(pc) =	sbr.rel @p3 .LBB2_12-.Ltmp6, $3  }
0x6f: {  	_ =	sdelay $0x1  }
0x70: {  	s0 =	rddreg [dreg:$0x4];
	s1 =	simm.s32 $0x0  }
0x71: {  	[hbm4b:s0+s23] =	stream.strided.scatter [tilespmem:s23], [sflag:$0x1], $0x9300, s22, s23, $0x38;
	[tilespmem:$0x12680] =	vst v63  }
0x72: {  	s0 =	sadd.s32 s5, s29  }
0x73: {  	v2 =	vadd.s32 s0, v0  }
0x74: {  	s31 =	simm.s32 $0x0;
	s1 =	simm.s32 $0x200;
	v4 =	vadd.s32 $0x10, v2;
	v3 =	vadd.s32 $0x20, v2;
	v5 =	vadd.s32 $0x70, v2  }
.LBB2_10:
0x75: {  	p3 =	seq.s32 s1, $0x24A00;
	v6 =	vadd.s32 $0x30, v2;
	v7 =	vadd.s32 $0x40, v2;
	v8 =	vadd.s32 $0x50, v2;
	[tilespmem:s31+$0x93F0] =	vst v5  }
0x76: {  	v9 =	vadd.s32 $0x60, v2;
	[tilespmem:s31+$0x9380] =	vst v2  }
0x77: {  	[tilespmem:s31+$0x9390] =	vst v4  }
.Ltmp7:
0x78: {  	[tilespmem:s31+$0x93A0] =	vst v3;
	(pc) =	sbr.rel @!p3 .LBB2_10-.Ltmp7, $4  }
0x79: {  	[tilespmem:s31+$0x93B0] =	vst v6  }
0x7a: {  	[tilespmem:s31+$0x93C0] =	vst v7  }
0x7b: {  	v2 =	vadd.s32 $0x80, v2;
	[tilespmem:s31+$0x93D0] =	vst v8  }
0x7c: {  	v4 =	vadd.s32 $0x10, v2;
	v5 =	vadd.s32 $0x70, v2;
	v3 =	vadd.s32 $0x20, v2;
	[tilespmem:s31+$0x93E0] =	vst v9;
	s31 =	sshra.s32 s1, $0x2;
	s1 =	sadd.s32 $0x200, s1  }
0x7d: {  	[tilespmem:s31+$0x93F0] =	vst v5  }
0x7e: {  	[tilespmem:s31+$0x9380] =	vst v2  }
0x7f: {  	[tilespmem:s31+$0x9390] =	vst v4  }
.Ltmp8:
0x80: {  	v62 =	vadd.s32 $0x30, v2;
	[tilespmem:s31+$0x93A0] =	vst v3;
	(pc) =	sbr.rel .LBB2_15-.Ltmp8, $4  }
0x81: {  	v3 =	vadd.s32 $0x40, v2;
	[tilespmem:s31+$0x93B0] =	vst v62  }
0x82: {  	v63 =	vadd.s32 $0x50, v2;
	[tilespmem:s31+$0x93C0] =	vst v3  }
0x83: {  	v2 =	vadd.s32 $0x60, v2;
	[tilespmem:s31+$0x93D0] =	vst v63  }
0x84: {  	[tilespmem:s31+$0x93E0] =	vst v2  }
.LBB2_12:
0x85: {  	s31 =	sshra.s32 s1, $0x2;
	s1 =	sadd.s32 $0x200, s1  }
.LBB2_13:
0x86: {  	p3 =	sne.s32 s1, $0x24A00;
	[tilespmem:s31+$0x93F0] =	vst v1  }
0x87: {  	[tilespmem:s31+$0x9380] =	vst v1  }
0x88: {  	[tilespmem:s31+$0x9390] =	vst v1  }
.Ltmp9:
0x89: {  	[tilespmem:s31+$0x93A0] =	vst v1;
	(pc) =	sbr.rel @p3 .LBB2_13-.Ltmp9, $4  }
0x8a: {  	[tilespmem:s31+$0x93B0] =	vst v1  }
0x8b: {  	[tilespmem:s31+$0x93C0] =	vst v1  }
0x8c: {  	[tilespmem:s31+$0x93D0] =	vst v1  }
0x8d: {  	[tilespmem:s31+$0x93E0] =	vst v1;
	s31 =	sshra.s32 s1, $0x2;
	s1 =	sadd.s32 $0x200, s1  }
0x8e: {  	[tilespmem:s31+$0x93F0] =	vst v1  }
0x8f: {  	[tilespmem:s31+$0x9380] =	vst v1  }
0x90: {  	[tilespmem:s31+$0x9390] =	vst v1  }
0x91: {  	[tilespmem:s31+$0x93A0] =	vst v1  }
0x92: {  	[tilespmem:s31+$0x93B0] =	vst v1  }
0x93: {  	[tilespmem:s31+$0x93C0] =	vst v1  }
0x94: {  	[tilespmem:s31+$0x93D0] =	vst v1  }
0x95: {  	[tilespmem:s31+$0x93E0] =	vst v1  }
.LBB2_15:
0x96: {  	p3 =	sge.s32 s8, s30  }
.Ltmp10:
0x97: {  	s0 =	rddreg [dreg:$0x5];
	(pc) =	sbr.rel @p3 .LBB2_19-.Ltmp10, $4  }
0x98: {  	[hbm4b:s0+s23] =	stream.strided.scatter [tilespmem:s24], [sflag:$0x2], $0x9300, s22, s23, $0x38;
	[tilespmem:$0x12680] =	vst v63  }
0x99: {  	_ =	swait.ge [sflag:s25], $0x9300  }
0x9a: {  	[sflag:s25] =	ssyncset.done $0x0  }
0x9b: {  	s1 =	simm.s32 $0x0;
	[sflag:s25] =	ssyncadd.s32 $0xFFFF6D00  }
0x9c: {  	s0 =	sadd.s32 s8, s29  }
0x9d: {  	v2 =	vadd.s32 s0, v0  }
0x9e: {  	s31 =	simm.s32 $0x0;
	s1 =	simm.s32 $0x200;
	v4 =	vadd.s32 $0x10, v2;
	v3 =	vadd.s32 $0x20, v2;
	v5 =	vadd.s32 $0x70, v2  }
.LBB2_17:
0x9f: {  	p3 =	seq.s32 s1, $0x24A00;
	v6 =	vadd.s32 $0x30, v2;
	v7 =	vadd.s32 $0x40, v2;
	v8 =	vadd.s32 $0x50, v2;
	[tilespmem:s31+$0xF0] =	vst v5  }
0xa0: {  	v9 =	vadd.s32 $0x60, v2;
	[tilespmem:s31+$0x80] =	vst v2  }
0xa1: {  	[tilespmem:s31+$0x90] =	vst v4  }
.Ltmp11:
0xa2: {  	[tilespmem:s31+$0xA0] =	vst v3;
	(pc) =	sbr.rel @!p3 .LBB2_17-.Ltmp11, $4  }
0xa3: {  	[tilespmem:s31+$0xB0] =	vst v6  }
0xa4: {  	[tilespmem:s31+$0xC0] =	vst v7  }
0xa5: {  	v2 =	vadd.s32 $0x80, v2;
	[tilespmem:s31+$0xD0] =	vst v8  }
0xa6: {  	v4 =	vadd.s32 $0x10, v2;
	v5 =	vadd.s32 $0x70, v2;
	v3 =	vadd.s32 $0x20, v2;
	[tilespmem:s31+$0xE0] =	vst v9;
	s31 =	sshra.s32 s1, $0x2;
	s1 =	sadd.s32 $0x200, s1  }
0xa7: {  	[tilespmem:s31+$0xF0] =	vst v5  }
0xa8: {  	[tilespmem:s31+$0x80] =	vst v2  }
0xa9: {  	[tilespmem:s31+$0x90] =	vst v4  }
.Ltmp12:
0xaa: {  	v62 =	vadd.s32 $0x30, v2;
	[tilespmem:s31+$0xA0] =	vst v3;
	(pc) =	sbr.rel .LBB2_22-.Ltmp12, $4  }
0xab: {  	v3 =	vadd.s32 $0x40, v2;
	[tilespmem:s31+$0xB0] =	vst v62  }
0xac: {  	v63 =	vadd.s32 $0x50, v2;
	[tilespmem:s31+$0xC0] =	vst v3  }
0xad: {  	v2 =	vadd.s32 $0x60, v2;
	[tilespmem:s31+$0xD0] =	vst v63  }
0xae: {  	[tilespmem:s31+$0xE0] =	vst v2  }
.LBB2_19:
0xaf: {  	s31 =	sshra.s32 s1, $0x2;
	s1 =	sadd.s32 $0x200, s1  }
.LBB2_20:
0xb0: {  	p3 =	sne.s32 s1, $0x24A00;
	[tilespmem:s31+$0xF0] =	vst v1  }
0xb1: {  	[tilespmem:s31+$0x80] =	vst v1  }
0xb2: {  	[tilespmem:s31+$0x90] =	vst v1  }
.Ltmp13:
0xb3: {  	[tilespmem:s31+$0xA0] =	vst v1;
	(pc) =	sbr.rel @p3 .LBB2_20-.Ltmp13, $4  }
0xb4: {  	[tilespmem:s31+$0xB0] =	vst v1  }
0xb5: {  	[tilespmem:s31+$0xC0] =	vst v1  }
0xb6: {  	[tilespmem:s31+$0xD0] =	vst v1  }
0xb7: {  	[tilespmem:s31+$0xE0] =	vst v1;
	s31 =	sshra.s32 s1, $0x2;
	s1 =	sadd.s32 $0x200, s1  }
0xb8: {  	[tilespmem:s31+$0xF0] =	vst v1  }
0xb9: {  	[tilespmem:s31+$0x80] =	vst v1  }
0xba: {  	[tilespmem:s31+$0x90] =	vst v1  }
0xbb: {  	[tilespmem:s31+$0xA0] =	vst v1  }
0xbc: {  	[tilespmem:s31+$0xB0] =	vst v1  }
0xbd: {  	[tilespmem:s31+$0xC0] =	vst v1  }
0xbe: {  	[tilespmem:s31+$0xD0] =	vst v1  }
0xbf: {  	[tilespmem:s31+$0xE0] =	vst v1  }
.LBB2_22:
0xc0: {  	p3 =	sge.s32 s9, s30  }
.Ltmp14:
0xc1: {  	_ = 	snop;
	(pc) =	sbr.rel @p3 .LBB2_26-.Ltmp14, $4  }
0xc2: {  	[hbm4b:s11+s23] =	stream.strided.scatter [tilespmem:s23], [sflag:$0x1], $0x9300, s22, s23, $0x38;
	[tilespmem:$0x12680] =	vst v63  }
0xc3: {  	_ =	swait.ge [sflag:s26], $0x9300  }
0xc4: {  	[sflag:s26] =	ssyncset.done $0x0  }
0xc5: {  	s1 =	simm.s32 $0x0;
	[sflag:s26] =	ssyncadd.s32 $0xFFFF6D00  }
0xc6: {  	s0 =	sadd.s32 s9, s29  }
0xc7: {  	v2 =	vadd.s32 s0, v0  }
0xc8: {  	s31 =	simm.s32 $0x0;
	s1 =	simm.s32 $0x200;
	v4 =	vadd.s32 $0x10, v2;
	v3 =	vadd.s32 $0x20, v2;
	v5 =	vadd.s32 $0x70, v2  }
.LBB2_24:
0xc9: {  	p3 =	seq.s32 s1, $0x24A00;
	v6 =	vadd.s32 $0x30, v2;
	v7 =	vadd.s32 $0x40, v2;
	v8 =	vadd.s32 $0x50, v2;
	[tilespmem:s31+$0x93F0] =	vst v5  }
0xca: {  	v9 =	vadd.s32 $0x60, v2;
	[tilespmem:s31+$0x9380] =	vst v2  }
0xcb: {  	[tilespmem:s31+$0x9390] =	vst v4  }
.Ltmp15:
0xcc: {  	[tilespmem:s31+$0x93A0] =	vst v3;
	(pc) =	sbr.rel @!p3 .LBB2_24-.Ltmp15, $4  }
0xcd: {  	[tilespmem:s31+$0x93B0] =	vst v6  }
0xce: {  	[tilespmem:s31+$0x93C0] =	vst v7  }
0xcf: {  	v2 =	vadd.s32 $0x80, v2;
	[tilespmem:s31+$0x93D0] =	vst v8  }
0xd0: {  	v4 =	vadd.s32 $0x10, v2;
	v5 =	vadd.s32 $0x70, v2;
	v3 =	vadd.s32 $0x20, v2;
	[tilespmem:s31+$0x93E0] =	vst v9;
	s31 =	sshra.s32 s1, $0x2;
	s1 =	sadd.s32 $0x200, s1  }
0xd1: {  	[tilespmem:s31+$0x93F0] =	vst v5  }
0xd2: {  	[tilespmem:s31+$0x9380] =	vst v2  }
0xd3: {  	[tilespmem:s31+$0x9390] =	vst v4  }
.Ltmp16:
0xd4: {  	v62 =	vadd.s32 $0x30, v2;
	[tilespmem:s31+$0x93A0] =	vst v3;
	(pc) =	sbr.rel .LBB2_29-.Ltmp16, $4  }
0xd5: {  	v3 =	vadd.s32 $0x40, v2;
	[tilespmem:s31+$0x93B0] =	vst v62  }
0xd6: {  	v63 =	vadd.s32 $0x50, v2;
	[tilespmem:s31+$0x93C0] =	vst v3  }
0xd7: {  	v2 =	vadd.s32 $0x60, v2;
	[tilespmem:s31+$0x93D0] =	vst v63  }
0xd8: {  	[tilespmem:s31+$0x93E0] =	vst v2  }
.LBB2_26:
0xd9: {  	s31 =	sshra.s32 s1, $0x2;
	s1 =	sadd.s32 $0x200, s1  }
.LBB2_27:
0xda: {  	p3 =	sne.s32 s1, $0x24A00;
	[tilespmem:s31+$0x93F0] =	vst v1  }
0xdb: {  	[tilespmem:s31+$0x9380] =	vst v1  }
0xdc: {  	[tilespmem:s31+$0x9390] =	vst v1  }
.Ltmp17:
0xdd: {  	[tilespmem:s31+$0x93A0] =	vst v1;
	(pc) =	sbr.rel @p3 .LBB2_27-.Ltmp17, $4  }
0xde: {  	[tilespmem:s31+$0x93B0] =	vst v1  }
0xdf: {  	[tilespmem:s31+$0x93C0] =	vst v1  }
0xe0: {  	[tilespmem:s31+$0x93D0] =	vst v1  }
0xe1: {  	[tilespmem:s31+$0x93E0] =	vst v1;
	s31 =	sshra.s32 s1, $0x2;
	s1 =	sadd.s32 $0x200, s1  }
0xe2: {  	[tilespmem:s31+$0x93F0] =	vst v1  }
0xe3: {  	[tilespmem:s31+$0x9380] =	vst v1  }
0xe4: {  	[tilespmem:s31+$0x9390] =	vst v1  }
0xe5: {  	[tilespmem:s31+$0x93A0] =	vst v1  }
0xe6: {  	[tilespmem:s31+$0x93B0] =	vst v1  }
0xe7: {  	[tilespmem:s31+$0x93C0] =	vst v1  }
0xe8: {  	[tilespmem:s31+$0x93D0] =	vst v1  }
0xe9: {  	[tilespmem:s31+$0x93E0] =	vst v1  }
.LBB2_29:
0xea: {  	p3 =	sge.s32 s10, s30  }
.Ltmp18:
0xeb: {  	_ = 	snop;
	(pc) =	sbr.rel @p3 .LBB2_33-.Ltmp18, $4  }
0xec: {  	[hbm4b:s12+s23] =	stream.strided.scatter [tilespmem:s24], [sflag:$0x2], $0x9300, s22, s23, $0x38;
	[tilespmem:$0x12680] =	vst v63  }
0xed: {  	_ =	swait.ge [sflag:s25], $0x9300  }
0xee: {  	[sflag:s25] =	ssyncset.done $0x0  }
0xef: {  	s1 =	simm.s32 $0x0;
	[sflag:s25] =	ssyncadd.s32 $0xFFFF6D00  }
0xf0: {  	s0 =	sadd.s32 s10, s29  }
0xf1: {  	v2 =	vadd.s32 s0, v0  }
0xf2: {  	s31 =	simm.s32 $0x0;
	s1 =	simm.s32 $0x200;
	v4 =	vadd.s32 $0x10, v2;
	v3 =	vadd.s32 $0x20, v2;
	v5 =	vadd.s32 $0x70, v2  }
.LBB2_31:
0xf3: {  	p3 =	seq.s32 s1, $0x24A00;
	v6 =	vadd.s32 $0x30, v2;
	v7 =	vadd.s32 $0x40, v2;
	v8 =	vadd.s32 $0x50, v2;
	[tilespmem:s31+$0xF0] =	vst v5  }
0xf4: {  	v9 =	vadd.s32 $0x60, v2;
	[tilespmem:s31+$0x80] =	vst v2  }
0xf5: {  	[tilespmem:s31+$0x90] =	vst v4  }
.Ltmp19:
0xf6: {  	[tilespmem:s31+$0xA0] =	vst v3;
	(pc) =	sbr.rel @!p3 .LBB2_31-.Ltmp19, $4  }
0xf7: {  	[tilespmem:s31+$0xB0] =	vst v6  }
0xf8: {  	[tilespmem:s31+$0xC0] =	vst v7  }
0xf9: {  	v2 =	vadd.s32 $0x80, v2;
	[tilespmem:s31+$0xD0] =	vst v8  }
0xfa: {  	v4 =	vadd.s32 $0x10, v2;
	v5 =	vadd.s32 $0x70, v2;
	v3 =	vadd.s32 $0x20, v2;
	[tilespmem:s31+$0xE0] =	vst v9;
	s31 =	sshra.s32 s1, $0x2;
	s1 =	sadd.s32 $0x200, s1  }
0xfb: {  	[tilespmem:s31+$0xF0] =	vst v5  }
0xfc: {  	[tilespmem:s31+$0x80] =	vst v2  }
0xfd: {  	[tilespmem:s31+$0x90] =	vst v4  }
.Ltmp20:
0xfe: {  	v62 =	vadd.s32 $0x30, v2;
	[tilespmem:s31+$0xA0] =	vst v3;
	(pc) =	sbr.rel .LBB2_36-.Ltmp20, $4  }
0xff: {  	v3 =	vadd.s32 $0x40, v2;
	[tilespmem:s31+$0xB0] =	vst v62  }
0x100: {  	v63 =	vadd.s32 $0x50, v2;
	[tilespmem:s31+$0xC0] =	vst v3  }
0x101: {  	v2 =	vadd.s32 $0x60, v2;
	[tilespmem:s31+$0xD0] =	vst v63  }
0x102: {  	[tilespmem:s31+$0xE0] =	vst v2  }
.LBB2_33:
0x103: {  	s31 =	sshra.s32 s1, $0x2;
	s1 =	sadd.s32 $0x200, s1  }
.LBB2_34:
0x104: {  	p3 =	sne.s32 s1, $0x24A00;
	[tilespmem:s31+$0xF0] =	vst v1  }
0x105: {  	[tilespmem:s31+$0x80] =	vst v1  }
0x106: {  	[tilespmem:s31+$0x90] =	vst v1  }
.Ltmp21:
0x107: {  	[tilespmem:s31+$0xA0] =	vst v1;
	(pc) =	sbr.rel @p3 .LBB2_34-.Ltmp21, $4  }
0x108: {  	[tilespmem:s31+$0xB0] =	vst v1  }
0x109: {  	[tilespmem:s31+$0xC0] =	vst v1  }
0x10a: {  	[tilespmem:s31+$0xD0] =	vst v1  }
0x10b: {  	[tilespmem:s31+$0xE0] =	vst v1;
	s31 =	sshra.s32 s1, $0x2;
	s1 =	sadd.s32 $0x200, s1  }
0x10c: {  	[tilespmem:s31+$0xF0] =	vst v1  }
0x10d: {  	[tilespmem:s31+$0x80] =	vst v1  }
0x10e: {  	[tilespmem:s31+$0x90] =	vst v1  }
0x10f: {  	[tilespmem:s31+$0xA0] =	vst v1  }
0x110: {  	[tilespmem:s31+$0xB0] =	vst v1  }
0x111: {  	[tilespmem:s31+$0xC0] =	vst v1  }
0x112: {  	[tilespmem:s31+$0xD0] =	vst v1  }
0x113: {  	[tilespmem:s31+$0xE0] =	vst v1  }
.LBB2_36:
0x114: {  	p3 =	sge.s32 s14, s30  }
.Ltmp22:
0x115: {  	_ = 	snop;
	(pc) =	sbr.rel @p3 .LBB2_40-.Ltmp22, $4  }
0x116: {  	[hbm4b:s13+s23] =	stream.strided.scatter [tilespmem:s23], [sflag:$0x1], $0x9300, s22, s23, $0x38;
	[tilespmem:$0x12680] =	vst v63  }
0x117: {  	_ =	swait.ge [sflag:s26], $0x9300  }
0x118: {  	[sflag:s26] =	ssyncset.done $0x0  }
0x119: {  	s1 =	simm.s32 $0x0;
	[sflag:s26] =	ssyncadd.s32 $0xFFFF6D00  }
0x11a: {  	s0 =	sadd.s32 s14, s29  }
0x11b: {  	v2 =	vadd.s32 s0, v0  }
0x11c: {  	s31 =	simm.s32 $0x0;
	s1 =	simm.s32 $0x200;
	v4 =	vadd.s32 $0x10, v2;
	v3 =	vadd.s32 $0x20, v2;
	v5 =	vadd.s32 $0x70, v2  }
.LBB2_38:
0x11d: {  	p3 =	seq.s32 s1, $0x24A00;
	v6 =	vadd.s32 $0x30, v2;
	v7 =	vadd.s32 $0x40, v2;
	v8 =	vadd.s32 $0x50, v2;
	[tilespmem:s31+$0x93F0] =	vst v5  }
0x11e: {  	v9 =	vadd.s32 $0x60, v2;
	[tilespmem:s31+$0x9380] =	vst v2  }
0x11f: {  	[tilespmem:s31+$0x9390] =	vst v4  }
.Ltmp23:
0x120: {  	[tilespmem:s31+$0x93A0] =	vst v3;
	(pc) =	sbr.rel @!p3 .LBB2_38-.Ltmp23, $4  }
0x121: {  	[tilespmem:s31+$0x93B0] =	vst v6  }
0x122: {  	[tilespmem:s31+$0x93C0] =	vst v7  }
0x123: {  	v2 =	vadd.s32 $0x80, v2;
	[tilespmem:s31+$0x93D0] =	vst v8  }
0x124: {  	v4 =	vadd.s32 $0x10, v2;
	v5 =	vadd.s32 $0x70, v2;
	v3 =	vadd.s32 $0x20, v2;
	[tilespmem:s31+$0x93E0] =	vst v9;
	s31 =	sshra.s32 s1, $0x2;
	s1 =	sadd.s32 $0x200, s1  }
0x125: {  	[tilespmem:s31+$0x93F0] =	vst v5  }
0x126: {  	[tilespmem:s31+$0x9380] =	vst v2  }
0x127: {  	[tilespmem:s31+$0x9390] =	vst v4  }
.Ltmp24:
0x128: {  	v62 =	vadd.s32 $0x30, v2;
	[tilespmem:s31+$0x93A0] =	vst v3;
	(pc) =	sbr.rel .LBB2_43-.Ltmp24, $4  }
0x129: {  	v3 =	vadd.s32 $0x40, v2;
	[tilespmem:s31+$0x93B0] =	vst v62  }
0x12a: {  	v63 =	vadd.s32 $0x50, v2;
	[tilespmem:s31+$0x93C0] =	vst v3  }
0x12b: {  	v2 =	vadd.s32 $0x60, v2;
	[tilespmem:s31+$0x93D0] =	vst v63  }
0x12c: {  	[tilespmem:s31+$0x93E0] =	vst v2  }
.LBB2_40:
0x12d: {  	s31 =	sshra.s32 s1, $0x2;
	s1 =	sadd.s32 $0x200, s1  }
.LBB2_41:
0x12e: {  	p3 =	sne.s32 s1, $0x24A00;
	[tilespmem:s31+$0x93F0] =	vst v1  }
0x12f: {  	[tilespmem:s31+$0x9380] =	vst v1  }
0x130: {  	[tilespmem:s31+$0x9390] =	vst v1  }
.Ltmp25:
0x131: {  	[tilespmem:s31+$0x93A0] =	vst v1;
	(pc) =	sbr.rel @p3 .LBB2_41-.Ltmp25, $4  }
0x132: {  	[tilespmem:s31+$0x93B0] =	vst v1  }
0x133: {  	[tilespmem:s31+$0x93C0] =	vst v1  }
0x134: {  	[tilespmem:s31+$0x93D0] =	vst v1  }
0x135: {  	[tilespmem:s31+$0x93E0] =	vst v1;
	s31 =	sshra.s32 s1, $0x2;
	s1 =	sadd.s32 $0x200, s1  }
0x136: {  	[tilespmem:s31+$0x93F0] =	vst v1  }
0x137: {  	[tilespmem:s31+$0x9380] =	vst v1  }
0x138: {  	[tilespmem:s31+$0x9390] =	vst v1  }
0x139: {  	[tilespmem:s31+$0x93A0] =	vst v1  }
0x13a: {  	[tilespmem:s31+$0x93B0] =	vst v1  }
0x13b: {  	[tilespmem:s31+$0x93C0] =	vst v1  }
0x13c: {  	[tilespmem:s31+$0x93D0] =	vst v1  }
0x13d: {  	[tilespmem:s31+$0x93E0] =	vst v1  }
.LBB2_43:
0x13e: {  	p3 =	sge.s32 s15, s30  }
.Ltmp26:
0x13f: {  	_ = 	snop;
	(pc) =	sbr.rel @p3 .LBB2_47-.Ltmp26, $4  }
0x140: {  	[hbm4b:s17+s23] =	stream.strided.scatter [tilespmem:s24], [sflag:$0x2], $0x9300, s22, s23, $0x38;
	[tilespmem:$0x12680] =	vst v63  }
0x141: {  	_ =	swait.ge [sflag:s25], $0x9300  }
0x142: {  	[sflag:s25] =	ssyncset.done $0x0  }
0x143: {  	s1 =	simm.s32 $0x0;
	[sflag:s25] =	ssyncadd.s32 $0xFFFF6D00  }
0x144: {  	s0 =	sadd.s32 s15, s29  }
0x145: {  	v2 =	vadd.s32 s0, v0  }
0x146: {  	s31 =	simm.s32 $0x0;
	s1 =	simm.s32 $0x200;
	v4 =	vadd.s32 $0x10, v2;
	v3 =	vadd.s32 $0x20, v2;
	v5 =	vadd.s32 $0x70, v2  }
.LBB2_45:
0x147: {  	p3 =	seq.s32 s1, $0x24A00;
	v6 =	vadd.s32 $0x30, v2;
	v7 =	vadd.s32 $0x40, v2;
	v8 =	vadd.s32 $0x50, v2;
	[tilespmem:s31+$0xF0] =	vst v5  }
0x148: {  	v9 =	vadd.s32 $0x60, v2;
	[tilespmem:s31+$0x80] =	vst v2  }
0x149: {  	[tilespmem:s31+$0x90] =	vst v4  }
.Ltmp27:
0x14a: {  	[tilespmem:s31+$0xA0] =	vst v3;
	(pc) =	sbr.rel @!p3 .LBB2_45-.Ltmp27, $4  }
0x14b: {  	[tilespmem:s31+$0xB0] =	vst v6  }
0x14c: {  	[tilespmem:s31+$0xC0] =	vst v7  }
0x14d: {  	v2 =	vadd.s32 $0x80, v2;
	[tilespmem:s31+$0xD0] =	vst v8  }
0x14e: {  	v4 =	vadd.s32 $0x10, v2;
	v5 =	vadd.s32 $0x70, v2;
	v3 =	vadd.s32 $0x20, v2;
	[tilespmem:s31+$0xE0] =	vst v9;
	s31 =	sshra.s32 s1, $0x2;
	s1 =	sadd.s32 $0x200, s1  }
0x14f: {  	[tilespmem:s31+$0xF0] =	vst v5  }
0x150: {  	[tilespmem:s31+$0x80] =	vst v2  }
0x151: {  	[tilespmem:s31+$0x90] =	vst v4  }
.Ltmp28:
0x152: {  	v62 =	vadd.s32 $0x30, v2;
	[tilespmem:s31+$0xA0] =	vst v3;
	(pc) =	sbr.rel .LBB2_50-.Ltmp28, $4  }
0x153: {  	v3 =	vadd.s32 $0x40, v2;
	[tilespmem:s31+$0xB0] =	vst v62  }
0x154: {  	v63 =	vadd.s32 $0x50, v2;
	[tilespmem:s31+$0xC0] =	vst v3  }
0x155: {  	v2 =	vadd.s32 $0x60, v2;
	[tilespmem:s31+$0xD0] =	vst v63  }
0x156: {  	[tilespmem:s31+$0xE0] =	vst v2  }
.LBB2_47:
0x157: {  	s31 =	sshra.s32 s1, $0x2;
	s1 =	sadd.s32 $0x200, s1  }
.LBB2_48:
0x158: {  	p3 =	sne.s32 s1, $0x24A00;
	[tilespmem:s31+$0xF0] =	vst v1  }
0x159: {  	[tilespmem:s31+$0x80] =	vst v1  }
0x15a: {  	[tilespmem:s31+$0x90] =	vst v1  }
.Ltmp29:
0x15b: {  	[tilespmem:s31+$0xA0] =	vst v1;
	(pc) =	sbr.rel @p3 .LBB2_48-.Ltmp29, $4  }
0x15c: {  	[tilespmem:s31+$0xB0] =	vst v1  }
0x15d: {  	[tilespmem:s31+$0xC0] =	vst v1  }
0x15e: {  	[tilespmem:s31+$0xD0] =	vst v1  }
0x15f: {  	[tilespmem:s31+$0xE0] =	vst v1;
	s31 =	sshra.s32 s1, $0x2;
	s1 =	sadd.s32 $0x200, s1  }
0x160: {  	[tilespmem:s31+$0xF0] =	vst v1  }
0x161: {  	[tilespmem:s31+$0x80] =	vst v1  }
0x162: {  	[tilespmem:s31+$0x90] =	vst v1  }
0x163: {  	[tilespmem:s31+$0xA0] =	vst v1  }
0x164: {  	[tilespmem:s31+$0xB0] =	vst v1  }
0x165: {  	[tilespmem:s31+$0xC0] =	vst v1  }
0x166: {  	[tilespmem:s31+$0xD0] =	vst v1  }
0x167: {  	[tilespmem:s31+$0xE0] =	vst v1  }
.LBB2_50:
0x168: {  	p3 =	sge.s32 s16, s30  }
.Ltmp30:
0x169: {  	_ = 	snop;
	(pc) =	sbr.rel @p3 .LBB2_54-.Ltmp30, $4  }
0x16a: {  	[hbm4b:s18+s23] =	stream.strided.scatter [tilespmem:s23], [sflag:$0x1], $0x9300, s22, s23, $0x38;
	[tilespmem:$0x12680] =	vst v63  }
0x16b: {  	_ =	swait.ge [sflag:s26], $0x9300  }
0x16c: {  	[sflag:s26] =	ssyncset.done $0x0  }
0x16d: {  	s1 =	simm.s32 $0x0;
	[sflag:s26] =	ssyncadd.s32 $0xFFFF6D00  }
0x16e: {  	s0 =	sadd.s32 s16, s29  }
0x16f: {  	v2 =	vadd.s32 s0, v0  }
0x170: {  	s29 =	simm.s32 $0x0;
	s1 =	simm.s32 $0x200;
	v4 =	vadd.s32 $0x10, v2;
	v3 =	vadd.s32 $0x20, v2;
	v5 =	vadd.s32 $0x70, v2  }
.LBB2_52:
0x171: {  	p3 =	seq.s32 s1, $0x24A00;
	v6 =	vadd.s32 $0x30, v2;
	v7 =	vadd.s32 $0x40, v2;
	v8 =	vadd.s32 $0x50, v2;
	[tilespmem:s29+$0x93F0] =	vst v5  }
0x172: {  	v9 =	vadd.s32 $0x60, v2;
	[tilespmem:s29+$0x9380] =	vst v2  }
0x173: {  	[tilespmem:s29+$0x9390] =	vst v4  }
.Ltmp31:
0x174: {  	[tilespmem:s29+$0x93A0] =	vst v3;
	(pc) =	sbr.rel @!p3 .LBB2_52-.Ltmp31, $4  }
0x175: {  	[tilespmem:s29+$0x93B0] =	vst v6  }
0x176: {  	[tilespmem:s29+$0x93C0] =	vst v7  }
0x177: {  	v2 =	vadd.s32 $0x80, v2;
	[tilespmem:s29+$0x93D0] =	vst v8  }
0x178: {  	v4 =	vadd.s32 $0x10, v2;
	v5 =	vadd.s32 $0x70, v2;
	v3 =	vadd.s32 $0x20, v2;
	[tilespmem:s29+$0x93E0] =	vst v9;
	s29 =	sshra.s32 s1, $0x2;
	s1 =	sadd.s32 $0x200, s1  }
0x179: {  	[tilespmem:s29+$0x93F0] =	vst v5  }
0x17a: {  	[tilespmem:s29+$0x9380] =	vst v2  }
0x17b: {  	[tilespmem:s29+$0x9390] =	vst v4  }
.Ltmp32:
0x17c: {  	v62 =	vadd.s32 $0x30, v2;
	[tilespmem:s29+$0x93A0] =	vst v3;
	(pc) =	sbr.rel .LBB2_57-.Ltmp32, $4  }
0x17d: {  	v3 =	vadd.s32 $0x40, v2;
	[tilespmem:s29+$0x93B0] =	vst v62  }
0x17e: {  	v63 =	vadd.s32 $0x50, v2;
	[tilespmem:s29+$0x93C0] =	vst v3  }
0x17f: {  	v2 =	vadd.s32 $0x60, v2;
	[tilespmem:s29+$0x93D0] =	vst v63  }
0x180: {  	[tilespmem:s29+$0x93E0] =	vst v2  }
.LBB2_54:
0x181: {  	s29 =	sshra.s32 s1, $0x2;
	s1 =	sadd.s32 $0x200, s1  }
.LBB2_55:
0x182: {  	p3 =	sne.s32 s1, $0x24A00;
	[tilespmem:s29+$0x93F0] =	vst v1  }
0x183: {  	[tilespmem:s29+$0x9380] =	vst v1  }
0x184: {  	[tilespmem:s29+$0x9390] =	vst v1  }
.Ltmp33:
0x185: {  	[tilespmem:s29+$0x93A0] =	vst v1;
	(pc) =	sbr.rel @p3 .LBB2_55-.Ltmp33, $4  }
0x186: {  	[tilespmem:s29+$0x93B0] =	vst v1  }
0x187: {  	[tilespmem:s29+$0x93C0] =	vst v1  }
0x188: {  	[tilespmem:s29+$0x93D0] =	vst v1  }
0x189: {  	[tilespmem:s29+$0x93E0] =	vst v1;
	s29 =	sshra.s32 s1, $0x2;
	s1 =	sadd.s32 $0x200, s1  }
.Ltmp34:
0x18a: {  	_ = 	snop;
	(pc) =	sbr.rel .LBB2_56-.Ltmp34, $1  }
0x18b: {  	_ =	sdelay $0x3  }
.LBB2_58:
0x18c: {  	_ =	sfence.sel $0x180000  }
0x18d: {  	[bflag:$0x0] =	sbarrier.arrive $0xFFFF  }
0x18e: {  	_ =	strace $0x90000047  }
0x18f: {  	s0 =	stileid.u32;
	[bflag:$0x2] =	sbarrier.arrive $0xFFFF  }
0x190: {  	p0 =	sne.s32 s0, $0x0;
	s0 =	rddreg [dreg:$0x2]  }
0x191: {  	s0 =	sadd.s32 @!p0 $0x100000, s0  }
0x192: {  	[sflag:s0] =	ssyncadd.tile.s32 @!p0 $0x1;
	_ =	shalt  }
.Lfunc_end2:
_tile_overlayer_lowered:
.L_overlay_start_2:
0x193: {  	(tag) =	ssettag $0x2  }
0x194: {  	s0 =	rddreg [dreg:$0x0];
	s2 =	stileid.u32  }
0x195: {  	s1 =	rddreg [dreg:$0x1];
	p0 =	sne.s32 s2, $0x0  }
0x196: {  	s3 =	rddreg [dreg:$0x2];
	[bflag:$0x3] =	sbarrier.arrive $0xFFFF;
	s2 =	simm.s32 @!p0 $0x1C03  }
0x197: {  	[timem:s3], [sflag:s2] =	dma.local @!p0 [hbm:s0], s1  }
0x198: {  	s0 =	simm.s32 @!p0 $0x3  }
0x199: {  	_ =	swait.ge @!p0 [sflag:s0], s1  }
0x19a: {  	s1 =	ssub.s32 @!p0 $0x0, s1;
	[sflag:s0] =	ssyncset.done @!p0 $0x0  }
0x19b: {  	[sflag:s0] =	ssyncadd.s32 @!p0 s1  }
0x19c: {  	[bflag:$0x3] =	sbarrier.arrive $0xFFFF  }
0x19d: {  	_ =	shalt  }

</sc_bundles>
